<compile_context>
chip_gen: v7x
topology: tpu7x:2x2x1
jax: 0.10.2.dev20260603
libtpu: 0.0.44.dev20260713+nightly
codegen_flags: <defaults>
</compile_context>

<pallas_src>
import functools

import jax
import jax.numpy as jnp
from jax import lax
from jax.experimental import pallas as pl
from jax.experimental.pallas import tpu as pltpu
from jax.experimental.pallas import tpu_sc as plsc

T = 2048
D = 1024
E = 8
DFF = 2048
S = 2 * T
B = 256
NB = S // B
NT = NB + E - 1
CH = 512


def _route_kernel(g_ref, dest_ref, w_ref, cnt_ref):
    g = g_ref[...].astype(jnp.float32)
    m = jnp.max(g, axis=-1, keepdims=True)
    p = jnp.exp(g - m)
    scores = p / jnp.sum(p, axis=-1, keepdims=True)
    i1 = jnp.argmax(scores, axis=-1)[:, None]
    lanes_t = jax.lax.broadcasted_iota(jnp.int32, (T, E), 1)
    one1 = lanes_t == i1
    w1 = jnp.max(scores, axis=-1, keepdims=True)
    masked = jnp.where(one1, -jnp.inf, scores)
    i2 = jnp.argmax(masked, axis=-1)[:, None]
    w2 = jnp.max(masked, axis=-1, keepdims=True)
    denom = w1 + w2
    w1n, w2n = w1 / denom, w2 / denom

    e_flat = jnp.concatenate([i1, i2], axis=0)
    w_flat = jnp.concatenate([w1n, w2n], axis=0)

    lanes = jax.lax.broadcasted_iota(jnp.int32, (S, E), 1)
    onehot = (lanes == e_flat).astype(jnp.float32)

    r = jax.lax.broadcasted_iota(jnp.int32, (CH, CH), 0)
    c = jax.lax.broadcasted_iota(jnp.int32, (CH, CH), 1)
    tril = (r >= c).astype(jnp.float32)

    carry = jnp.zeros((1, E), jnp.float32)
    blocks = []
    for ci in range(S // CH):
        blk = jax.lax.slice(onehot, (ci * CH, 0), ((ci + 1) * CH, E))
        incl = jax.lax.dot_general(
            tril, blk, (((1,), (0,)), ((), ())),
            preferred_element_type=jnp.float32) + carry
        carry = jax.lax.slice(incl, (CH - 1, 0), (CH, E))
        blocks.append(incl)
    incl_all = jnp.concatenate(blocks, axis=0)

    counts = jnp.broadcast_to(carry, (S, E))
    before = jnp.sum(jnp.where(lanes < e_flat, counts, 0.0), axis=1,
                     keepdims=True)
    own = jnp.sum(jnp.where(lanes == e_flat, incl_all, 0.0), axis=1,
                  keepdims=True)
    dest = (before + own - 1.0).astype(jnp.int32)

    dest_ref[...] = jnp.broadcast_to(dest, (S, E))
    w_ref[...] = jnp.broadcast_to(w_flat, (S, E))
    cnt_ref[...] = jnp.broadcast_to(carry, (8, E)).astype(jnp.int32)


def _tilemap_kernel(cnt_ref, tb_ref, te_ref, trs_ref, tre_ref):
    BIG = jnp.int32(10 ** 6)

    def emit(t, st):
        bp, gp, gsv = st
        bval = jnp.where(bp < NB, bp * B, BIG)
        gval = jnp.where(gp < E, gsv, BIG)
        take_b = bval <= gval
        rs = jnp.where(take_b, bval, gval)
        nbp = jnp.where(take_b, bp + 1, bp)
        ngp = jnp.where(take_b, gp, gp + 1)
        ngsv = jnp.where(take_b, gsv,
                         gsv + cnt_ref[jnp.minimum(ngp - 1, E - 1)])
        trs_ref[t] = rs
        te_ref[t] = ngp - 1
        tb_ref[t] = jnp.minimum(rs // B, NB - 1)
        return nbp, ngp, ngsv

    jax.lax.fori_loop(0, NT, emit, (jnp.int32(0), jnp.int32(1),
                                    cnt_ref[0]))

    def fill_re(t, _):
        tre_ref[t] = jnp.where(t < NT - 1, trs_ref[t + 1], S)
        return 0

    jax.lax.fori_loop(0, NT, fill_re, 0)


def _gmm_kernel(tb_ref, te_ref, trs_ref, tre_ref,
                xg_ref, gp_ref, up_ref, dp_ref, y_ref):
    t = pl.program_id(0)
    rs = trs_ref[t]
    re = tre_ref[t]
    base = tb_ref[t] * B
    rows = base + jax.lax.broadcasted_iota(jnp.int32, (B, 1), 0)
    mask = jnp.logical_and(rows >= rs, rows < re).astype(jnp.float32)

    xgb = xg_ref[...].astype(jnp.bfloat16)
    acc = jnp.zeros((B, D), jnp.float32)
    KC = 2048
    for kc in range(DFF // KC):
        gp = gp_ref[0, pl.ds(kc * KC, KC), :]
        up = up_ref[0, pl.ds(kc * KC, KC), :]
        h = jax.nn.silu(jax.lax.dot_general(
            xgb, gp, (((1,), (1,)), ((), ())),
            preferred_element_type=jnp.float32))
        h = h * jax.lax.dot_general(
            xgb, up, (((1,), (1,)), ((), ())),
            preferred_element_type=jnp.float32)
        dp = dp_ref[0, :, pl.ds(kc * KC, KC)]
        acc = acc + jax.lax.dot_general(
            h.astype(jnp.bfloat16), dp, (((1,), (1,)), ((), ())),
            preferred_element_type=jnp.float32)
    contrib = acc * mask

    prev = tb_ref[jnp.maximum(t - 1, 0)]
    new_blk = jnp.logical_or(t == 0, tb_ref[t] != prev)

    @pl.when(new_blk)
    def _init():
        y_ref[...] = contrib

    @pl.when(jnp.logical_not(new_blk))
    def _acc():
        y_ref[...] += contrib


def _route(gating_output):
    dest8, w8, cnt8 = pl.pallas_call(
        _route_kernel,
        out_shape=[
            jax.ShapeDtypeStruct((S, E), jnp.int32),
            jax.ShapeDtypeStruct((S, E), jnp.float32),
            jax.ShapeDtypeStruct((8, E), jnp.int32),
        ],
    )(gating_output)
    counts = cnt8[0]
    tb, te, trs, tre = pl.pallas_call(
        _tilemap_kernel,
        in_specs=[pl.BlockSpec(memory_space=pltpu.SMEM)],
        out_specs=[pl.BlockSpec(memory_space=pltpu.SMEM)] * 4,
        out_shape=[jax.ShapeDtypeStruct((NT,), jnp.int32)] * 4,
    )(counts)
    return dest8[:, 0], w8[:, 0], tb, te, trs, tre


def _gmm(xg, gate_b, up_b, down_b, tb, te, trs, tre):
    grid_spec = pltpu.PrefetchScalarGridSpec(
        num_scalar_prefetch=4,
        grid=(NT,),
        in_specs=[
            pl.BlockSpec((B, D), lambda t, tb, te, trs, tre: (tb[t], 0)),
            pl.BlockSpec((1, DFF, D), lambda t, tb, te, trs, tre: (te[t], 0, 0)),
            pl.BlockSpec((1, DFF, D), lambda t, tb, te, trs, tre: (te[t], 0, 0)),
            pl.BlockSpec((1, D, DFF), lambda t, tb, te, trs, tre: (te[t], 0, 0)),
        ],
        out_specs=pl.BlockSpec((B, D), lambda t, tb, te, trs, tre: (tb[t], 0)),
    )
    return pl.pallas_call(
        _gmm_kernel,
        grid_spec=grid_spec,
        out_shape=jax.ShapeDtypeStruct((S, D), jnp.float32),
        compiler_params=pltpu.CompilerParams(
            dimension_semantics=("arbitrary",),
        ),
    )(tb, te, trs, tre, xg, gate_b, up_b, down_b)


NW = 32
_SC_MESH = dict(core_axis_name="c", subcore_axis_name="s")
K2C = 64
K4C = 32


def _wid():
    return lax.axis_index("s") * 2 + lax.axis_index("c")


@functools.partial(
    pl.kernel,
    mesh=plsc.VectorSubcoreMesh(**_SC_MESH),
    out_type=jax.ShapeDtypeStruct((S, D), jnp.float32),
    scratch_types=[
        pltpu.VMEM((K2C,), jnp.int32),
        pltpu.VMEM((K2C, D), jnp.float32),
        pltpu.SemaphoreType.DMA,
    ],
)
def _sc_scatter(x_hbm, dest_hbm, xg_hbm, idx_v, rows_v, sem):
    wid = _wid()
    spw = S // NW
    sbase = wid * spw
    xbase = lax.rem(sbase, T)

    def chunk(c, _):
        off = c * K2C
        pltpu.sync_copy(dest_hbm.at[pl.ds(sbase + off, K2C)], idx_v)
        pltpu.sync_copy(x_hbm.at[pl.ds(xbase + off, K2C)], rows_v)
        pltpu.async_copy(rows_v, xg_hbm.at[idx_v], sem).wait()
        return 0

    lax.fori_loop(0, spw // K2C, chunk, 0)


@functools.partial(
    pl.kernel,
    mesh=plsc.VectorSubcoreMesh(**_SC_MESH),
    out_type=jax.ShapeDtypeStruct((T, D), jnp.float32),
    scratch_types=[
        pltpu.VMEM((K4C,), jnp.int32),
        pltpu.VMEM((K4C,), jnp.int32),
        pltpu.VMEM((K4C, D), jnp.float32),
        pltpu.VMEM((K4C, D), jnp.float32),
        pltpu.VMEM((64, 16), jnp.float32),
        pltpu.VMEM((64, 16), jnp.float32),
        pltpu.VMEM((K4C, D), jnp.float32),
        pltpu.SemaphoreType.DMA,
    ],
)
def _sc_combine(y_hbm, dest_hbm, w16_hbm, out_hbm,
                idx0_v, idx1_v, y0_v, y1_v, w0_v, w1_v, ob_v, sem):
    wid = _wid()
    tpw = T // NW
    tbase = wid * tpw
    NCOL = D // 16
    pltpu.sync_copy(w16_hbm.at[pl.ds(tbase, tpw)], w0_v)
    pltpu.sync_copy(w16_hbm.at[pl.ds(T + tbase, tpw)], w1_v)

    def chunk(c, _):
        t0 = tbase + c * K4C
        pltpu.sync_copy(dest_hbm.at[pl.ds(t0, K4C)], idx0_v)
        pltpu.sync_copy(dest_hbm.at[pl.ds(T + t0, K4C)], idx1_v)
        g0 = pltpu.async_copy(y_hbm.at[idx0_v], y0_v, sem)
        g1 = pltpu.async_copy(y_hbm.at[idx1_v], y1_v, sem)
        g0.wait()
        g1.wait()

        def row(j, _):
            jw = c * K4C + j
            w0 = w0_v[jw, :]
            w1 = w1_v[jw, :]

            def col(cc, _):
                sl = pl.ds(cc * 16, 16)
                ob_v[j, sl] = w0 * y0_v[j, sl] + w1 * y1_v[j, sl]
                return 0

            lax.fori_loop(0, NCOL, col, 0)
            return 0

        lax.fori_loop(0, K4C, row, 0)
        pltpu.sync_copy(ob_v, out_hbm.at[pl.ds(t0, K4C)])
        return 0

    lax.fori_loop(0, tpw // K4C, chunk, 0)


@functools.partial(jax.jit, static_argnums=())
def kernel(x, gating_output, gate_proj, up_proj, down_proj):
    dest, w_flat, tb, te, trs, tre = _route(gating_output)
    gate_b = gate_proj.astype(jnp.bfloat16)
    up_b = up_proj.astype(jnp.bfloat16)
    down_b = down_proj.astype(jnp.bfloat16)
    w16 = jnp.broadcast_to(w_flat[:, None], (S, 16))

    xg = _sc_scatter(x, dest)
    y = _gmm(xg, gate_b, up_b, down_b, tb, te, trs, tre)
    out = _sc_combine(y, dest, w16)
    return out

# --- scband reference (transcript-rebuilt; emitter-appended) ---
"""Pipeline reference for scband-sparse-mo-elayer-77146202570960 (READ-ONLY COPY).

The authoritative reference and input builder live on the scoring server;
editing this copy changes nothing except your own understanding.
"""

import jax, jax.numpy as jnp
import numpy as np

T = 2048
D = 1024
E = 8
DFF = 2048
TOPK = 2


def setup_inputs(seed: int = 0) -> dict:
    key = jax.random.key(seed)
    ks = jax.random.split(key, 5)
    x = jax.random.normal(ks[0], (T, D), dtype=jnp.float32)
    gating_output = jax.random.normal(ks[1], (T, E), dtype=jnp.float32)
    gate_proj = jax.random.normal(ks[2], (E, DFF, D), dtype=jnp.float32) * 0.02
    up_proj = jax.random.normal(ks[3], (E, DFF, D), dtype=jnp.float32) * 0.02
    down_proj = jax.random.normal(ks[4], (E, D, DFF), dtype=jnp.float32) * 0.02
    return {
        'x': x,
        'gating_output': gating_output,
        'gate_proj': gate_proj,
        'up_proj': up_proj,
        'down_proj': down_proj,
    }


def reference(x, gating_output, gate_proj, up_proj, down_proj):
    # Router: softmax over expert logits, then top-k selection (fused_moe semantics).
    scores = jax.nn.softmax(gating_output.astype(jnp.float32), axis=-1)
    topk_weights, topk_ids = jax.lax.top_k(scores, TOPK)
    # renormalize=True: normalize the selected expert weights to sum to 1 per token
    topk_weights = topk_weights / jnp.sum(topk_weights, axis=-1, keepdims=True)
    # Scatter per-token routing weights into a dense [T, E] combine matrix
    tok = jnp.arange(x.shape[0])
    combine = jnp.zeros((x.shape[0], E), dtype=jnp.float32).at[tok[:, None], topk_ids].add(topk_weights)
    # Expert MLPs (SwiGLU): out = sum_e combine[:, e] * down(silu(gate(x)) * up(x))
    out = jnp.zeros_like(x)
    for e in range(E):
        h = jax.nn.silu(x @ gate_proj[e].T) * (x @ up_proj[e].T)
        out = out + combine[:, e:e + 1] * (h @ down_proj[e].T)
    return out

if __name__ == "__main__":
    import jax
    _d = setup_inputs()
    print(jax.jit(kernel)(*tuple(_d.values())))

</pallas_src>

<mosaic_0001>
#map = affine_map<(d0, d1) -> (0, 0)>
#map1 = affine_map<(d0, d1) -> (0)>
module attributes {stable_mosaic.version = 14 : i64} {
  func.func @_sc_scatter(%arg0: i32, %arg1: i32, %arg2: memref<2048x1024xf32, #tpu.memory_space<hbm>>, %arg3: memref<4096xi32, #tpu.memory_space<hbm>>, %arg4: memref<4096x1024xf32, #tpu.memory_space<hbm>>, %arg5: memref<64xi32, #tpu.memory_space<vmem>>, %arg6: memref<64x1024xf32, #tpu.memory_space<vmem>>, %arg7: memref<!tpu.dma_semaphore, #tpu.memory_space<semaphore_mem>>) attributes {dimension_semantics = [#tpu.dimension_semantics<core_parallel>, #tpu.dimension_semantics<subcore_parallel>], iteration_bounds = array<i64: 2, 16>, scalar_prefetch = 0 : i64, scratch_operands = 3 : i64, tpu.core_type = #tpu.core_type<sc_vector_subcore>, window_params = [{transform_indices = #map}, {transform_indices = #map1}, {transform_indices = #map}]} {
    %mul3A = arith.constant 2 : i32
    %mul3A_0 = arith.muli %arg1, %mul3A : i32
    %add3A = arith.addi %mul3A_0, %arg0 : i32
    %mul3A_1 = arith.constant 128 : i32
    %mul3A_2 = arith.muli %add3A, %mul3A_1 : i32
    %rem3A = arith.constant 2048 : i32
    %rem3A_3 = arith.remsi %mul3A_2, %rem3A : i32
    %scan3A = arith.constant 0 : i32
    %scan3A_4 = arith.constant 0 : i32
    %scan3A_5 = arith.constant 2 : i32
    %scan3A_6 = arith.addi %scan3A_4, %scan3A_5 : i32
    %scan3A_7 = arith.constant 1 : i32
    %scan3A_8 = scf.for %scan3A_10 = %scan3A_4 to %scan3A_6 step %scan3A_7 iter_args(%scan3A_11 = %scan3A) -> (i32)  : i32 {
      %mul3A_12 = arith.constant 64 : i32
      %mul3A_13 = arith.muli %scan3A_10, %mul3A_12 : i32
      %add3A_14 = arith.addi %mul3A_2, %mul3A_13 : i32
      "tpu.region"() ({
        %run_scoped3A = tpu.sem_alloc : memref<!tpu.dma_semaphore, #tpu.memory_space<semaphore_mem>>
        %dma_start3A_21 = tpu.memref_slice %arg3[%add3A_14] : memref<4096xi32, #tpu.memory_space<hbm>> -> memref<64xi32, #tpu.memory_space<hbm>>
        %dma_start3A_22 = tpu.memref_slice %arg3[%add3A_14] : memref<4096xi32, #tpu.memory_space<hbm>> -> memref<64xi32, #tpu.memory_space<hbm>>
        tpu.enqueue_dma source(%dma_start3A_22 : memref<64xi32, #tpu.memory_space<hbm>>) target(%arg5 : memref<64xi32, #tpu.memory_space<vmem>>) target_semaphore(%run_scoped3A : memref<!tpu.dma_semaphore, #tpu.memory_space<semaphore_mem>>)
        %dma_wait3A_23 = tpu.memref_slice %arg3[%add3A_14] : memref<4096xi32, #tpu.memory_space<hbm>> -> memref<64xi32, #tpu.memory_space<hbm>>
        %dma_wait3A_24 = tpu.memref_slice %arg3[%add3A_14] : memref<4096xi32, #tpu.memory_space<hbm>> -> memref<64xi32, #tpu.memory_space<hbm>>
        tpu.wait_dma2 semaphore(%run_scoped3A : memref<!tpu.dma_semaphore, #tpu.memory_space<semaphore_mem>>) src(%dma_wait3A_24 : memref<64xi32, #tpu.memory_space<hbm>>) dst(%arg5 : memref<64xi32, #tpu.memory_space<vmem>>)
        tpu.yield
      }) : () -> ()
      %add3A_15 = arith.addi %rem3A_3, %mul3A_13 : i32
      "tpu.region"() ({
        %run_scoped3A = tpu.sem_alloc : memref<!tpu.dma_semaphore, #tpu.memory_space<semaphore_mem>>
        %dma_start3A_21 = arith.constant 0 : i32
        %dma_start3A_22 = tpu.memref_slice %arg2[%add3A_15, %dma_start3A_21] : memref<2048x1024xf32, #tpu.memory_space<hbm>> -> memref<64x1024xf32, #tpu.memory_space<hbm>>
        %dma_start3A_23 = arith.constant 0 : i32
        %dma_start3A_24 = tpu.memref_slice %arg2[%add3A_15, %dma_start3A_23] : memref<2048x1024xf32, #tpu.memory_space<hbm>> -> memref<64x1024xf32, #tpu.memory_space<hbm>>
        tpu.enqueue_dma source(%dma_start3A_24 : memref<64x1024xf32, #tpu.memory_space<hbm>>) target(%arg6 : memref<64x1024xf32, #tpu.memory_space<vmem>>) target_semaphore(%run_scoped3A : memref<!tpu.dma_semaphore, #tpu.memory_space<semaphore_mem>>)
        %dma_wait3A_25 = arith.constant 0 : i32
        %dma_wait3A_26 = tpu.memref_slice %arg2[%add3A_15, %dma_wait3A_25] : memref<2048x1024xf32, #tpu.memory_space<hbm>> -> memref<64x1024xf32, #tpu.memory_space<hbm>>
        %dma_wait3A_27 = arith.constant 0 : i32
        %dma_wait3A_28 = tpu.memref_slice %arg2[%add3A_15, %dma_wait3A_27] : memref<2048x1024xf32, #tpu.memory_space<hbm>> -> memref<64x1024xf32, #tpu.memory_space<hbm>>
        tpu.wait_dma2 semaphore(%run_scoped3A : memref<!tpu.dma_semaphore, #tpu.memory_space<semaphore_mem>>) src(%dma_wait3A_28 : memref<64x1024xf32, #tpu.memory_space<hbm>>) dst(%arg6 : memref<64x1024xf32, #tpu.memory_space<vmem>>)
        tpu.yield
      }) : () -> ()
      %dma_start3A = arith.constant 0 : i32
      %dma_start3A_16 = arith.constant 0 : i32
      %dma_start3A_17 = tpu.memref_slice %arg4[%dma_start3A, %dma_start3A_16] : memref<4096x1024xf32, #tpu.memory_space<hbm>> -> memref<4096x1024xf32, #tpu.memory_space<hbm>>
      tpu.enqueue_indirect_dma source(%arg6 : memref<64x1024xf32, #tpu.memory_space<vmem>>) target(%dma_start3A_17 : memref<4096x1024xf32, #tpu.memory_space<hbm>>) offsets(%arg5 : memref<64xi32, #tpu.memory_space<vmem>>) semaphore(%arg7 : memref<!tpu.dma_semaphore, #tpu.memory_space<semaphore_mem>>)
      %dma_wait3A = arith.constant 0 : i32
      %dma_wait3A_18 = arith.constant 0 : i32
      %dma_wait3A_19 = tpu.memref_slice %arg4[%dma_wait3A, %dma_wait3A_18] : memref<4096x1024xf32, #tpu.memory_space<hbm>> -> memref<4096x1024xf32, #tpu.memory_space<hbm>>
      tpu.wait_indirect_dma semaphore(%arg7 : memref<!tpu.dma_semaphore, #tpu.memory_space<semaphore_mem>>) src(%arg6 : memref<64x1024xf32, #tpu.memory_space<vmem>>) dst(%dma_wait3A_19 : memref<4096x1024xf32, #tpu.memory_space<hbm>>)
      %scan3A_20 = arith.constant 0 : i32
      scf.yield %scan3A_20 : i32
    }
    %scan3A_9 = arith.constant 2 : i32
    return
  }
}

#map = affine_map<(d0, d1) -> (0, 0)>
#map1 = affine_map<(d0, d1) -> (0)>
module attributes {stable_mosaic.version = 14 : i64} {
  func.func @_sc_combine(%arg0: i32, %arg1: i32, %arg2: memref<4096x1024xf32, #tpu.memory_space<hbm>>, %arg3: memref<4096xi32, #tpu.memory_space<hbm>>, %arg4: memref<4096x16xf32, #tpu.memory_space<hbm>>, %arg5: memref<2048x1024xf32, #tpu.memory_space<hbm>>, %arg6: memref<32xi32, #tpu.memory_space<vmem>>, %arg7: memref<32xi32, #tpu.memory_space<vmem>>, %arg8: memref<32x1024xf32, #tpu.memory_space<vmem>>, %arg9: memref<32x1024xf32, #tpu.memory_space<vmem>>, %arg10: memref<64x16xf32, #tpu.memory_space<vmem>>, %arg11: memref<64x16xf32, #tpu.memory_space<vmem>>, %arg12: memref<32x1024xf32, #tpu.memory_space<vmem>>, %arg13: memref<!tpu.dma_semaphore, #tpu.memory_space<semaphore_mem>>) attributes {dimension_semantics = [#tpu.dimension_semantics<core_parallel>, #tpu.dimension_semantics<subcore_parallel>], iteration_bounds = array<i64: 2, 16>, scalar_prefetch = 0 : i64, scratch_operands = 8 : i64, tpu.core_type = #tpu.core_type<sc_vector_subcore>, window_params = [{transform_indices = #map}, {transform_indices = #map1}, {transform_indices = #map}, {transform_indices = #map}]} {
    %mul3A = arith.constant 2 : i32
    %mul3A_0 = arith.muli %arg1, %mul3A : i32
    %add3A = arith.addi %mul3A_0, %arg0 : i32
    %mul3A_1 = arith.constant 64 : i32
    %mul3A_2 = arith.muli %add3A, %mul3A_1 : i32
    "tpu.region"() ({
      %run_scoped3A = tpu.sem_alloc : memref<!tpu.dma_semaphore, #tpu.memory_space<semaphore_mem>>
      %dma_start3A = arith.constant 0 : i32
      %dma_start3A_11 = tpu.memref_slice %arg4[%mul3A_2, %dma_start3A] : memref<4096x16xf32, #tpu.memory_space<hbm>> -> memref<64x16xf32, #tpu.memory_space<hbm>>
      %dma_start3A_12 = arith.constant 0 : i32
      %dma_start3A_13 = tpu.memref_slice %arg4[%mul3A_2, %dma_start3A_12] : memref<4096x16xf32, #tpu.memory_space<hbm>> -> memref<64x16xf32, #tpu.memory_space<hbm>>
      tpu.enqueue_dma source(%dma_start3A_13 : memref<64x16xf32, #tpu.memory_space<hbm>>) target(%arg10 : memref<64x16xf32, #tpu.memory_space<vmem>>) target_semaphore(%run_scoped3A : memref<!tpu.dma_semaphore, #tpu.memory_space<semaphore_mem>>)
      %dma_wait3A = arith.constant 0 : i32
      %dma_wait3A_14 = tpu.memref_slice %arg4[%mul3A_2, %dma_wait3A] : memref<4096x16xf32, #tpu.memory_space<hbm>> -> memref<64x16xf32, #tpu.memory_space<hbm>>
      %dma_wait3A_15 = arith.constant 0 : i32
      %dma_wait3A_16 = tpu.memref_slice %arg4[%mul3A_2, %dma_wait3A_15] : memref<4096x16xf32, #tpu.memory_space<hbm>> -> memref<64x16xf32, #tpu.memory_space<hbm>>
      tpu.wait_dma2 semaphore(%run_scoped3A : memref<!tpu.dma_semaphore, #tpu.memory_space<semaphore_mem>>) src(%dma_wait3A_16 : memref<64x16xf32, #tpu.memory_space<hbm>>) dst(%arg10 : memref<64x16xf32, #tpu.memory_space<vmem>>)
      tpu.yield
    }) : () -> ()
    %add3A_3 = arith.constant 2048 : i32
    %add3A_4 = arith.addi %add3A_3, %mul3A_2 : i32
    "tpu.region"() ({
      %run_scoped3A = tpu.sem_alloc : memref<!tpu.dma_semaphore, #tpu.memory_space<semaphore_mem>>
      %dma_start3A = arith.constant 0 : i32
      %dma_start3A_11 = tpu.memref_slice %arg4[%add3A_4, %dma_start3A] : memref<4096x16xf32, #tpu.memory_space<hbm>> -> memref<64x16xf32, #tpu.memory_space<hbm>>
      %dma_start3A_12 = arith.constant 0 : i32
      %dma_start3A_13 = tpu.memref_slice %arg4[%add3A_4, %dma_start3A_12] : memref<4096x16xf32, #tpu.memory_space<hbm>> -> memref<64x16xf32, #tpu.memory_space<hbm>>
      tpu.enqueue_dma source(%dma_start3A_13 : memref<64x16xf32, #tpu.memory_space<hbm>>) target(%arg11 : memref<64x16xf32, #tpu.memory_space<vmem>>) target_semaphore(%run_scoped3A : memref<!tpu.dma_semaphore, #tpu.memory_space<semaphore_mem>>)
      %dma_wait3A = arith.constant 0 : i32
      %dma_wait3A_14 = tpu.memref_slice %arg4[%add3A_4, %dma_wait3A] : memref<4096x16xf32, #tpu.memory_space<hbm>> -> memref<64x16xf32, #tpu.memory_space<hbm>>
      %dma_wait3A_15 = arith.constant 0 : i32
      %dma_wait3A_16 = tpu.memref_slice %arg4[%add3A_4, %dma_wait3A_15] : memref<4096x16xf32, #tpu.memory_space<hbm>> -> memref<64x16xf32, #tpu.memory_space<hbm>>
      tpu.wait_dma2 semaphore(%run_scoped3A : memref<!tpu.dma_semaphore, #tpu.memory_space<semaphore_mem>>) src(%dma_wait3A_16 : memref<64x16xf32, #tpu.memory_space<hbm>>) dst(%arg11 : memref<64x16xf32, #tpu.memory_space<vmem>>)
      tpu.yield
    }) : () -> ()
    %scan3A = arith.constant 0 : i32
    %scan3A_5 = arith.constant 0 : i32
    %scan3A_6 = arith.constant 2 : i32
    %scan3A_7 = arith.addi %scan3A_5, %scan3A_6 : i32
    %scan3A_8 = arith.constant 1 : i32
    %scan3A_9 = scf.for %scan3A_11 = %scan3A_5 to %scan3A_7 step %scan3A_8 iter_args(%scan3A_12 = %scan3A) -> (i32)  : i32 {
      %mul3A_13 = arith.constant 32 : i32
      %mul3A_14 = arith.muli %scan3A_11, %mul3A_13 : i32
      %add3A_15 = arith.addi %mul3A_2, %mul3A_14 : i32
      "tpu.region"() ({
        %run_scoped3A = tpu.sem_alloc : memref<!tpu.dma_semaphore, #tpu.memory_space<semaphore_mem>>
        %dma_start3A_36 = tpu.memref_slice %arg3[%add3A_15] : memref<4096xi32, #tpu.memory_space<hbm>> -> memref<32xi32, #tpu.memory_space<hbm>>
        %dma_start3A_37 = tpu.memref_slice %arg3[%add3A_15] : memref<4096xi32, #tpu.memory_space<hbm>> -> memref<32xi32, #tpu.memory_space<hbm>>
        tpu.enqueue_dma source(%dma_start3A_37 : memref<32xi32, #tpu.memory_space<hbm>>) target(%arg6 : memref<32xi32, #tpu.memory_space<vmem>>) target_semaphore(%run_scoped3A : memref<!tpu.dma_semaphore, #tpu.memory_space<semaphore_mem>>)
        %dma_wait3A_38 = tpu.memref_slice %arg3[%add3A_15] : memref<4096xi32, #tpu.memory_space<hbm>> -> memref<32xi32, #tpu.memory_space<hbm>>
        %dma_wait3A_39 = tpu.memref_slice %arg3[%add3A_15] : memref<4096xi32, #tpu.memory_space<hbm>> -> memref<32xi32, #tpu.memory_space<hbm>>
        tpu.wait_dma2 semaphore(%run_scoped3A : memref<!tpu.dma_semaphore, #tpu.memory_space<semaphore_mem>>) src(%dma_wait3A_39 : memref<32xi32, #tpu.memory_space<hbm>>) dst(%arg6 : memref<32xi32, #tpu.memory_space<vmem>>)
        tpu.yield
      }) : () -> ()
      %add3A_16 = arith.constant 2048 : i32
      %add3A_17 = arith.addi %add3A_16, %add3A_15 : i32
      "tpu.region"() ({
        %run_scoped3A = tpu.sem_alloc : memref<!tpu.dma_semaphore, #tpu.memory_space<semaphore_mem>>
        %dma_start3A_36 = tpu.memref_slice %arg3[%add3A_17] : memref<4096xi32, #tpu.memory_space<hbm>> -> memref<32xi32, #tpu.memory_space<hbm>>
        %dma_start3A_37 = tpu.memref_slice %arg3[%add3A_17] : memref<4096xi32, #tpu.memory_space<hbm>> -> memref<32xi32, #tpu.memory_space<hbm>>
        tpu.enqueue_dma source(%dma_start3A_37 : memref<32xi32, #tpu.memory_space<hbm>>) target(%arg7 : memref<32xi32, #tpu.memory_space<vmem>>) target_semaphore(%run_scoped3A : memref<!tpu.dma_semaphore, #tpu.memory_space<semaphore_mem>>)
        %dma_wait3A_38 = tpu.memref_slice %arg3[%add3A_17] : memref<4096xi32, #tpu.memory_space<hbm>> -> memref<32xi32, #tpu.memory_space<hbm>>
        %dma_wait3A_39 = tpu.memref_slice %arg3[%add3A_17] : memref<4096xi32, #tpu.memory_space<hbm>> -> memref<32xi32, #tpu.memory_space<hbm>>
        tpu.wait_dma2 semaphore(%run_scoped3A : memref<!tpu.dma_semaphore, #tpu.memory_space<semaphore_mem>>) src(%dma_wait3A_39 : memref<32xi32, #tpu.memory_space<hbm>>) dst(%arg7 : memref<32xi32, #tpu.memory_space<vmem>>)
        tpu.yield
      }) : () -> ()
      %dma_start3A = arith.constant 0 : i32
      %dma_start3A_18 = arith.constant 0 : i32
      %dma_start3A_19 = tpu.memref_slice %arg2[%dma_start3A, %dma_start3A_18] : memref<4096x1024xf32, #tpu.memory_space<hbm>> -> memref<4096x1024xf32, #tpu.memory_space<hbm>>
      tpu.enqueue_indirect_dma source(%dma_start3A_19 : memref<4096x1024xf32, #tpu.memory_space<hbm>>) target(%arg8 : memref<32x1024xf32, #tpu.memory_space<vmem>>) offsets(%arg6 : memref<32xi32, #tpu.memory_space<vmem>>) semaphore(%arg13 : memref<!tpu.dma_semaphore, #tpu.memory_space<semaphore_mem>>)
      %dma_start3A_20 = arith.constant 0 : i32
      %dma_start3A_21 = arith.constant 0 : i32
      %dma_start3A_22 = tpu.memref_slice %arg2[%dma_start3A_20, %dma_start3A_21] : memref<4096x1024xf32, #tpu.memory_space<hbm>> -> memref<4096x1024xf32, #tpu.memory_space<hbm>>
      tpu.enqueue_indirect_dma source(%dma_start3A_22 : memref<4096x1024xf32, #tpu.memory_space<hbm>>) target(%arg9 : memref<32x1024xf32, #tpu.memory_space<vmem>>) offsets(%arg7 : memref<32xi32, #tpu.memory_space<vmem>>) semaphore(%arg13 : memref<!tpu.dma_semaphore, #tpu.memory_space<semaphore_mem>>)
      %dma_wait3A = arith.constant 0 : i32
      %dma_wait3A_23 = arith.constant 0 : i32
      %dma_wait3A_24 = tpu.memref_slice %arg2[%dma_wait3A, %dma_wait3A_23] : memref<4096x1024xf32, #tpu.memory_space<hbm>> -> memref<4096x1024xf32, #tpu.memory_space<hbm>>
      tpu.wait_indirect_dma semaphore(%arg13 : memref<!tpu.dma_semaphore, #tpu.memory_space<semaphore_mem>>) src(%dma_wait3A_24 : memref<4096x1024xf32, #tpu.memory_space<hbm>>) dst(%arg8 : memref<32x1024xf32, #tpu.memory_space<vmem>>)
      %dma_wait3A_25 = arith.constant 0 : i32
      %dma_wait3A_26 = arith.constant 0 : i32
      %dma_wait3A_27 = tpu.memref_slice %arg2[%dma_wait3A_25, %dma_wait3A_26] : memref<4096x1024xf32, #tpu.memory_space<hbm>> -> memref<4096x1024xf32, #tpu.memory_space<hbm>>
      tpu.wait_indirect_dma semaphore(%arg13 : memref<!tpu.dma_semaphore, #tpu.memory_space<semaphore_mem>>) src(%dma_wait3A_27 : memref<4096x1024xf32, #tpu.memory_space<hbm>>) dst(%arg9 : memref<32x1024xf32, #tpu.memory_space<vmem>>)
      %scan3A_28 = arith.constant 0 : i32
      %scan3A_29 = arith.constant 0 : i32
      %scan3A_30 = arith.constant 32 : i32
      %scan3A_31 = arith.addi %scan3A_29, %scan3A_30 : i32
      %scan3A_32 = arith.constant 1 : i32
      %scan3A_33 = scf.for %scan3A_36 = %scan3A_29 to %scan3A_31 step %scan3A_32 iter_args(%scan3A_37 = %scan3A_28) -> (i32)  : i32 {
        %mul3A_38 = arith.constant 32 : i32
        %mul3A_39 = arith.muli %scan3A_11, %mul3A_38 : i32
        %add3A_40 = arith.addi %mul3A_39, %scan3A_36 : i32
        %get3A = arith.index_cast %add3A_40 : i32 to index
        %get3A_41 = arith.constant 0 : index
        %get3A_42 = tpu.vector_load %arg10[%get3A, %get3A_41] {strides = array<i32>} : memref<64x16xf32, #tpu.memory_space<vmem>>, vector<1x16xf32>,
        %get3A_43 = vector.shape_cast %get3A_42 : vector<1x16xf32> to vector<16xf32>
        %get3A_44 = arith.index_cast %add3A_40 : i32 to index
        %get3A_45 = arith.constant 0 : index
        %get3A_46 = tpu.vector_load %arg11[%get3A_44, %get3A_45] {strides = array<i32>} : memref<64x16xf32, #tpu.memory_space<vmem>>, vector<1x16xf32>,
        %get3A_47 = vector.shape_cast %get3A_46 : vector<1x16xf32> to vector<16xf32>
        %scan3A_48 = arith.constant 0 : i32
        %scan3A_49 = arith.constant 0 : i32
        %scan3A_50 = arith.constant 64 : i32
        %scan3A_51 = arith.addi %scan3A_49, %scan3A_50 : i32
        %scan3A_52 = arith.constant 1 : i32
        %scan3A_53 = scf.for %scan3A_56 = %scan3A_49 to %scan3A_51 step %scan3A_52 iter_args(%scan3A_57 = %scan3A_48) -> (i32)  : i32 {
          %mul3A_58 = arith.constant 16 : i32
          %mul3A_59 = arith.muli %scan3A_56, %mul3A_58 : i32
          %get3A_60 = arith.index_cast %scan3A_36 : i32 to index
          %get3A_61 = arith.index_cast %mul3A_59 : i32 to index
          %get3A_62 = tpu.vector_load %arg8[%get3A_60, %get3A_61] {strides = array<i32>} : memref<32x1024xf32, #tpu.memory_space<vmem>>, vector<1x16xf32>,
          %get3A_63 = vector.shape_cast %get3A_62 : vector<1x16xf32> to vector<16xf32>
          %mul3A_64 = arith.mulf %get3A_43, %get3A_63 : vector<16xf32>
          %get3A_65 = arith.index_cast %scan3A_36 : i32 to index
          %get3A_66 = arith.index_cast %mul3A_59 : i32 to index
          %get3A_67 = tpu.vector_load %arg9[%get3A_65, %get3A_66] {strides = array<i32>} : memref<32x1024xf32, #tpu.memory_space<vmem>>, vector<1x16xf32>,
          %get3A_68 = vector.shape_cast %get3A_67 : vector<1x16xf32> to vector<16xf32>
          %mul3A_69 = arith.mulf %get3A_47, %get3A_68 : vector<16xf32>
          %add3A_70 = arith.addf %mul3A_64, %mul3A_69 : vector<16xf32>
          %swap3A = arith.index_cast %scan3A_36 : i32 to index
          %swap3A_71 = arith.index_cast %mul3A_59 : i32 to index
          %swap3A_72 = tpu.vector_load %arg12[%swap3A, %swap3A_71] {strides = array<i32>} : memref<32x1024xf32, #tpu.memory_space<vmem>>, vector<1x16xf32>,
          %swap3A_73 = vector.shape_cast %swap3A_72 : vector<1x16xf32> to vector<16xf32>
          %swap3A_74 = vector.shape_cast %add3A_70 : vector<16xf32> to vector<1x16xf32>
          tpu.vector_store %arg12[%swap3A, %swap3A_71], %swap3A_74 {strides = array<i32>} : memref<32x1024xf32, #tpu.memory_space<vmem>>, vector<1x16xf32>,
          %scan3A_75 = arith.constant 0 : i32
          scf.yield %scan3A_75 : i32
        }
        %scan3A_54 = arith.constant 64 : i32
        %scan3A_55 = arith.constant 0 : i32
        scf.yield %scan3A_55 : i32
      }
      %scan3A_34 = arith.constant 32 : i32
      "tpu.region"() ({
        %run_scoped3A = tpu.sem_alloc : memref<!tpu.dma_semaphore, #tpu.memory_space<semaphore_mem>>
        %dma_start3A_36 = arith.constant 0 : i32
        %dma_start3A_37 = tpu.memref_slice %arg5[%add3A_15, %dma_start3A_36] : memref<2048x1024xf32, #tpu.memory_space<hbm>> -> memref<32x1024xf32, #tpu.memory_space<hbm>>
        %dma_start3A_38 = arith.constant 0 : i32
        %dma_start3A_39 = tpu.memref_slice %arg5[%add3A_15, %dma_start3A_38] : memref<2048x1024xf32, #tpu.memory_space<hbm>> -> memref<32x1024xf32, #tpu.memory_space<hbm>>
        tpu.enqueue_dma source(%arg12 : memref<32x1024xf32, #tpu.memory_space<vmem>>) target(%dma_start3A_39 : memref<32x1024xf32, #tpu.memory_space<hbm>>) target_semaphore(%run_scoped3A : memref<!tpu.dma_semaphore, #tpu.memory_space<semaphore_mem>>)
        %dma_wait3A_40 = arith.constant 0 : i32
        %dma_wait3A_41 = tpu.memref_slice %arg5[%add3A_15, %dma_wait3A_40] : memref<2048x1024xf32, #tpu.memory_space<hbm>> -> memref<32x1024xf32, #tpu.memory_space<hbm>>
        %dma_wait3A_42 = arith.constant 0 : i32
        %dma_wait3A_43 = tpu.memref_slice %arg5[%add3A_15, %dma_wait3A_42] : memref<2048x1024xf32, #tpu.memory_space<hbm>> -> memref<32x1024xf32, #tpu.memory_space<hbm>>
        tpu.wait_dma2 semaphore(%run_scoped3A : memref<!tpu.dma_semaphore, #tpu.memory_space<semaphore_mem>>) src(%arg12 : memref<32x1024xf32, #tpu.memory_space<vmem>>) dst(%dma_wait3A_43 : memref<32x1024xf32, #tpu.memory_space<hbm>>)
        tpu.yield
      }) : () -> ()
      %scan3A_35 = arith.constant 0 : i32
      scf.yield %scan3A_35 : i32
    }
    %scan3A_10 = arith.constant 2 : i32
    return
  }
}

module attributes {stable_mosaic.version = 14 : i64} {
  func.func @_tilemap_kernel(%arg0: memref<8xi32, #tpu.memory_space<smem>>, %arg1: memref<23xi32, #tpu.memory_space<smem>>, %arg2: memref<23xi32, #tpu.memory_space<smem>>, %arg3: memref<23xi32, #tpu.memory_space<smem>>, %arg4: memref<23xi32, #tpu.memory_space<smem>>) attributes {dimension_semantics = [], scalar_prefetch = 0 : i64, scratch_operands = 0 : i64, tpu.core_type = #tpu.core_type<tc>} {
    %get3A = arith.constant 0 : index
    %get3A_0 = memref.load %arg0[%get3A] : memref<8xi32, #tpu.memory_space<smem>>
    %scan3A = arith.constant 1000000 : i32
    %scan3A_1 = arith.constant 0 : i32
    %scan3A_2 = arith.constant 1 : i32
    %scan3A_3 = arith.constant 0 : i32
    %scan3A_4 = arith.constant 23 : i32
    %scan3A_5 = arith.addi %scan3A_3, %scan3A_4 : i32
    %scan3A_6 = arith.constant 1 : i32
    %scan3A_7:3 = scf.for %scan3A_14 = %scan3A_3 to %scan3A_5 step %scan3A_6 iter_args(%scan3A_15 = %scan3A_1, %scan3A_16 = %scan3A_2, %scan3A_17 = %get3A_0) -> (i32, i32, i32)  : i32 {
      %lt3A = arith.constant 16 : i32
      %lt3A_18 = arith.cmpi slt, %scan3A_15, %lt3A : i32
      %mul3A = arith.constant 256 : i32
      %mul3A_19 = arith.muli %scan3A_15, %mul3A : i32
      %select_n3A = arith.select %lt3A_18, %mul3A_19, %scan3A : i32
      %lt3A_20 = arith.constant 8 : i32
      %lt3A_21 = arith.cmpi slt, %scan3A_16, %lt3A_20 : i32
      %select_n3A_22 = arith.select %lt3A_21, %scan3A_17, %scan3A : i32
      %le3A = arith.cmpi sle, %select_n3A, %select_n3A_22 : i32
      %select_n3A_23 = arith.select %le3A, %select_n3A, %select_n3A_22 : i32
      %add3A = arith.constant 1 : i32
      %add3A_24 = arith.addi %scan3A_15, %add3A : i32
      %select_n3A_25 = arith.select %le3A, %add3A_24, %scan3A_15 : i32
      %add3A_26 = arith.constant 1 : i32
      %add3A_27 = arith.addi %scan3A_16, %add3A_26 : i32
      %select_n3A_28 = arith.select %le3A, %scan3A_16, %add3A_27 : i32
      %sub3A = arith.constant 1 : i32
      %sub3A_29 = arith.subi %select_n3A_28, %sub3A : i32
      %min3A = arith.constant 7 : i32
      %min3A_30 = arith.minsi %sub3A_29, %min3A : i32
      %get3A_31 = arith.index_cast %min3A_30 : i32 to index
      %get3A_32 = memref.load %arg0[%get3A_31] : memref<8xi32, #tpu.memory_space<smem>>
      %add3A_33 = arith.addi %scan3A_17, %get3A_32 : i32
      %select_n3A_34 = arith.select %le3A, %scan3A_17, %add3A_33 : i32
      %swap3A = arith.index_cast %scan3A_14 : i32 to index
      %swap3A_35 = memref.load %arg3[%swap3A] : memref<23xi32, #tpu.memory_space<smem>>
      memref.store %select_n3A_23, %arg3[%swap3A] : memref<23xi32, #tpu.memory_space<smem>>
      %sub3A_36 = arith.constant 1 : i32
      %sub3A_37 = arith.subi %select_n3A_28, %sub3A_36 : i32
      %swap3A_38 = arith.index_cast %scan3A_14 : i32 to index
      %swap3A_39 = memref.load %arg2[%swap3A_38] : memref<23xi32, #tpu.memory_space<smem>>
      memref.store %sub3A_37, %arg2[%swap3A_38] : memref<23xi32, #tpu.memory_space<smem>>
      %jit3A = arith.constant 256 : i32
      %div3A = arith.divsi %select_n3A_23, %jit3A : i32
      %sign3A = arith.constant 0 : i32
      %sign3A_40 = arith.cmpi sgt, %select_n3A_23, %sign3A : i32
      %sign3A_41 = arith.extui %sign3A_40 : i1 to i32
      %sign3A_42 = arith.constant 0 : i32
      %sign3A_43 = arith.cmpi slt, %select_n3A_23, %sign3A_42 : i32
      %sign3A_44 = arith.extui %sign3A_43 : i1 to i32
      %sign3A_45 = arith.subi %sign3A_41, %sign3A_44 : i32
      %sign3A_46 = arith.constant 0 : i32
      %sign3A_47 = arith.cmpi sgt, %jit3A, %sign3A_46 : i32
      %sign3A_48 = arith.extui %sign3A_47 : i1 to i32
      %sign3A_49 = arith.constant 0 : i32
      %sign3A_50 = arith.cmpi slt, %jit3A, %sign3A_49 : i32
      %sign3A_51 = arith.extui %sign3A_50 : i1 to i32
      %sign3A_52 = arith.subi %sign3A_48, %sign3A_51 : i32
      %ne3A = arith.cmpi ne, %sign3A_45, %sign3A_52 : i32
      %rem3A = arith.remsi %select_n3A_23, %jit3A : i32
      %ne3A_53 = arith.constant 0 : i32
      %ne3A_54 = arith.cmpi ne, %rem3A, %ne3A_53 : i32
      %and3A = arith.andi %ne3A, %ne3A_54 : i1
      %sub3A_55 = arith.constant 1 : i32
      %sub3A_56 = arith.subi %div3A, %sub3A_55 : i32
      %select_n3A_57 = arith.select %and3A, %sub3A_56, %div3A : i32
      %min3A_58 = arith.constant 15 : i32
      %min3A_59 = arith.minsi %select_n3A_57, %min3A_58 : i32
      %swap3A_60 = arith.index_cast %scan3A_14 : i32 to index
      %swap3A_61 = memref.load %arg1[%swap3A_60] : memref<23xi32, #tpu.memory_space<smem>>
      memref.store %min3A_59, %arg1[%swap3A_60] : memref<23xi32, #tpu.memory_space<smem>>
      scf.yield %select_n3A_25, %select_n3A_28, %select_n3A_34 : i32, i32, i32
    }
    %scan3A_8 = arith.constant 23 : i32
    %scan3A_9 = arith.constant 0 : i32
    %scan3A_10 = arith.constant 23 : i32
    %scan3A_11 = arith.addi %scan3A_9, %scan3A_10 : i32
    %scan3A_12 = arith.constant 1 : i32
    scf.for %scan3A_14 = %scan3A_9 to %scan3A_11 step %scan3A_12  : i32 {
      %lt3A = arith.constant 22 : i32
      %lt3A_15 = arith.cmpi slt, %scan3A_14, %lt3A : i32
      %add3A = arith.constant 1 : i32
      %add3A_16 = arith.addi %scan3A_14, %add3A : i32
      %get3A_17 = arith.index_cast %add3A_16 : i32 to index
      %get3A_18 = memref.load %arg3[%get3A_17] : memref<23xi32, #tpu.memory_space<smem>>
      %jit3A = arith.constant 4096 : i32
      %select_n3A = arith.select %lt3A_15, %get3A_18, %jit3A : i32
      %swap3A = arith.index_cast %scan3A_14 : i32 to index
      %swap3A_19 = memref.load %arg4[%swap3A] : memref<23xi32, #tpu.memory_space<smem>>
      memref.store %select_n3A, %arg4[%swap3A] : memref<23xi32, #tpu.memory_space<smem>>
    }
    %scan3A_13 = arith.constant 23 : i32
    return
  }
}

module attributes {stable_mosaic.version = 14 : i64} {
  func.func @_route_kernel(%arg0: memref<2048x8xf32, #tpu.memory_space<vmem>>, %arg1: memref<4096x8xi32, #tpu.memory_space<vmem>>, %arg2: memref<4096x8xf32, #tpu.memory_space<vmem>>, %arg3: memref<8x8xi32, #tpu.memory_space<vmem>>) attributes {dimension_semantics = [], scalar_prefetch = 0 : i64, scratch_operands = 0 : i64, tpu.core_type = #tpu.core_type<tc>} {
    %get3A = arith.constant 0 : index
    %get3A_0 = arith.constant 0 : index
    %get3A_1 = vector.load %arg0[%get3A, %get3A_0] : memref<2048x8xf32, #tpu.memory_space<vmem>>, vector<2048x8xf32>
    %reduce_max3A = arith.constant dense<0xFF800000> : vector<2048xf32>
    %reduce_max3A_2 = vector.multi_reduction <maximumf>, %get3A_1, %reduce_max3A [1] : vector<2048x8xf32> to vector<2048xf32>
    %broadcast_in_dim3A = vector.shape_cast %reduce_max3A_2 : vector<2048xf32> to vector<2048x1xf32>
    %sub3A = vector.broadcast %broadcast_in_dim3A : vector<2048x1xf32> to vector<2048x8xf32>
    %sub3A_3 = arith.subf %get3A_1, %sub3A : vector<2048x8xf32>
    %exp3A = math.exp %sub3A_3 : vector<2048x8xf32>
    %reduce_sum3A = arith.constant dense<0.000000e+00> : vector<2048xf32>
    %reduce_sum3A_4 = vector.multi_reduction <add>, %exp3A, %reduce_sum3A [1] : vector<2048x8xf32> to vector<2048xf32>
    %broadcast_in_dim3A_5 = vector.shape_cast %reduce_sum3A_4 : vector<2048xf32> to vector<2048x1xf32>
    %div3A = vector.broadcast %broadcast_in_dim3A_5 : vector<2048x1xf32> to vector<2048x8xf32>
    %div3A_6 = arith.divf %exp3A, %div3A : vector<2048x8xf32>
    %argmax3A = tpu.reduce_index %div3A_6 {axis = 1 : i32, kind = #tpu.reduction_kind<arg_max>} : vector<2048x8xf32> -> vector<2048xi32>
    %broadcast_in_dim3A_7 = vector.shape_cast %argmax3A : vector<2048xi32> to vector<2048x1xi32>
    %iota3A = tpu.iota {dimensions = array<i32: 1>} : vector<2048x8xi32>
    %eq3A = vector.broadcast %broadcast_in_dim3A_7 : vector<2048x1xi32> to vector<2048x8xi32>
    %eq3A_8 = arith.cmpi eq, %iota3A, %eq3A : vector<2048x8xi32>
    %reduce_max3A_9 = arith.constant dense<0xFF800000> : vector<2048xf32>
    %reduce_max3A_10 = vector.multi_reduction <maximumf>, %div3A_6, %reduce_max3A_9 [1] : vector<2048x8xf32> to vector<2048xf32>
    %broadcast_in_dim3A_11 = vector.shape_cast %reduce_max3A_10 : vector<2048xf32> to vector<2048x1xf32>
    %jit3A = arith.constant 0xFF800000 : f32
    %broadcast_in_dim3A_12 = vector.broadcast %jit3A : f32 to vector<2048x8xf32>
    %select_n3A = arith.select %eq3A_8, %broadcast_in_dim3A_12, %div3A_6 : vector<2048x8xi1>, vector<2048x8xf32>
    %argmax3A_13 = tpu.reduce_index %select_n3A {axis = 1 : i32, kind = #tpu.reduction_kind<arg_max>} : vector<2048x8xf32> -> vector<2048xi32>
    %broadcast_in_dim3A_14 = vector.shape_cast %argmax3A_13 : vector<2048xi32> to vector<2048x1xi32>
    %reduce_max3A_15 = arith.constant dense<0xFF800000> : vector<2048xf32>
    %reduce_max3A_16 = vector.multi_reduction <maximumf>, %select_n3A, %reduce_max3A_15 [1] : vector<2048x8xf32> to vector<2048xf32>
    %broadcast_in_dim3A_17 = vector.shape_cast %reduce_max3A_16 : vector<2048xf32> to vector<2048x1xf32>
    %add3A = arith.addf %broadcast_in_dim3A_11, %broadcast_in_dim3A_17 : vector<2048x1xf32>
    %div3A_18 = arith.divf %broadcast_in_dim3A_11, %add3A : vector<2048x1xf32>
    %div3A_19 = arith.divf %broadcast_in_dim3A_17, %add3A : vector<2048x1xf32>
    %concatenate3A = tpu.concatenate %broadcast_in_dim3A_7, %broadcast_in_dim3A_14 in 0 : vector<2048x1xi32>, vector<2048x1xi32> -> vector<4096x1xi32>
    %concatenate3A_20 = tpu.concatenate %div3A_18, %div3A_19 in 0 : vector<2048x1xf32>, vector<2048x1xf32> -> vector<4096x1xf32>
    %iota3A_21 = tpu.iota {dimensions = array<i32: 1>} : vector<4096x8xi32>
    %eq3A_22 = vector.broadcast %concatenate3A : vector<4096x1xi32> to vector<4096x8xi32>
    %eq3A_23 = arith.cmpi eq, %iota3A_21, %eq3A_22 : vector<4096x8xi32>
    %convert_element_type3A = arith.extui %eq3A_23 : vector<4096x8xi1> to vector<4096x8xi32>
    %convert_element_type3A_24 = arith.sitofp %convert_element_type3A : vector<4096x8xi32> to vector<4096x8xf32>
    %iota3A_25 = tpu.iota {dimensions = array<i32: 0>} : vector<512x512xi32>
    %iota3A_26 = tpu.iota {dimensions = array<i32: 1>} : vector<512x512xi32>
    %ge3A = arith.cmpi sge, %iota3A_25, %iota3A_26 : vector<512x512xi32>
    %convert_element_type3A_27 = arith.extui %ge3A : vector<512x512xi1> to vector<512x512xi32>
    %convert_element_type3A_28 = arith.sitofp %convert_element_type3A_27 : vector<512x512xi32> to vector<512x512xf32>
    %broadcast_in_dim3A_29 = arith.constant 0.000000e+00 : f32
    %broadcast_in_dim3A_30 = vector.broadcast %broadcast_in_dim3A_29 : f32 to vector<1x8xf32>
    %slice3A = vector.extract_strided_slice %convert_element_type3A_24 {offsets = [0, 0], sizes = [512, 8], strides = [1, 1]} : vector<4096x8xf32> to vector<512x8xf32>
    %dot_general3A = arith.constant dense<0.000000e+00> : vector<512x8xf32>
    %dot_general3A_31 = tpu.matmul %convert_element_type3A_28, %slice3A, %dot_general3A {dimension_numbers = #tpu.dot_dimension_numbers<[1], [0], [0], [1], [0, 0, 1, 1], [], []>, transpose_lhs_hint = false} : vector<512x512xf32>, vector<512x8xf32>, vector<512x8xf32> -> vector<512x8xf32>
    %add3A_32 = vector.broadcast %broadcast_in_dim3A_30 : vector<1x8xf32> to vector<512x8xf32>
    %add3A_33 = arith.addf %dot_general3A_31, %add3A_32 : vector<512x8xf32>
    %slice3A_34 = vector.extract_strided_slice %add3A_33 {offsets = [511, 0], sizes = [1, 8], strides = [1, 1]} : vector<512x8xf32> to vector<1x8xf32>
    %slice3A_35 = vector.extract_strided_slice %convert_element_type3A_24 {offsets = [512, 0], sizes = [512, 8], strides = [1, 1]} : vector<4096x8xf32> to vector<512x8xf32>
    %dot_general3A_36 = arith.constant dense<0.000000e+00> : vector<512x8xf32>
    %dot_general3A_37 = tpu.matmul %convert_element_type3A_28, %slice3A_35, %dot_general3A_36 {dimension_numbers = #tpu.dot_dimension_numbers<[1], [0], [0], [1], [0, 0, 1, 1], [], []>, transpose_lhs_hint = false} : vector<512x512xf32>, vector<512x8xf32>, vector<512x8xf32> -> vector<512x8xf32>
    %add3A_38 = vector.broadcast %slice3A_34 : vector<1x8xf32> to vector<512x8xf32>
    %add3A_39 = arith.addf %dot_general3A_37, %add3A_38 : vector<512x8xf32>
    %slice3A_40 = vector.extract_strided_slice %add3A_39 {offsets = [511, 0], sizes = [1, 8], strides = [1, 1]} : vector<512x8xf32> to vector<1x8xf32>
    %slice3A_41 = vector.extract_strided_slice %convert_element_type3A_24 {offsets = [1024, 0], sizes = [512, 8], strides = [1, 1]} : vector<4096x8xf32> to vector<512x8xf32>
    %dot_general3A_42 = arith.constant dense<0.000000e+00> : vector<512x8xf32>
    %dot_general3A_43 = tpu.matmul %convert_element_type3A_28, %slice3A_41, %dot_general3A_42 {dimension_numbers = #tpu.dot_dimension_numbers<[1], [0], [0], [1], [0, 0, 1, 1], [], []>, transpose_lhs_hint = false} : vector<512x512xf32>, vector<512x8xf32>, vector<512x8xf32> -> vector<512x8xf32>
    %add3A_44 = vector.broadcast %slice3A_40 : vector<1x8xf32> to vector<512x8xf32>
    %add3A_45 = arith.addf %dot_general3A_43, %add3A_44 : vector<512x8xf32>
    %slice3A_46 = vector.extract_strided_slice %add3A_45 {offsets = [511, 0], sizes = [1, 8], strides = [1, 1]} : vector<512x8xf32> to vector<1x8xf32>
    %slice3A_47 = vector.extract_strided_slice %convert_element_type3A_24 {offsets = [1536, 0], sizes = [512, 8], strides = [1, 1]} : vector<4096x8xf32> to vector<512x8xf32>
    %dot_general3A_48 = arith.constant dense<0.000000e+00> : vector<512x8xf32>
    %dot_general3A_49 = tpu.matmul %convert_element_type3A_28, %slice3A_47, %dot_general3A_48 {dimension_numbers = #tpu.dot_dimension_numbers<[1], [0], [0], [1], [0, 0, 1, 1], [], []>, transpose_lhs_hint = false} : vector<512x512xf32>, vector<512x8xf32>, vector<512x8xf32> -> vector<512x8xf32>
    %add3A_50 = vector.broadcast %slice3A_46 : vector<1x8xf32> to vector<512x8xf32>
    %add3A_51 = arith.addf %dot_general3A_49, %add3A_50 : vector<512x8xf32>
    %slice3A_52 = vector.extract_strided_slice %add3A_51 {offsets = [511, 0], sizes = [1, 8], strides = [1, 1]} : vector<512x8xf32> to vector<1x8xf32>
    %slice3A_53 = vector.extract_strided_slice %convert_element_type3A_24 {offsets = [2048, 0], sizes = [512, 8], strides = [1, 1]} : vector<4096x8xf32> to vector<512x8xf32>
    %dot_general3A_54 = arith.constant dense<0.000000e+00> : vector<512x8xf32>
    %dot_general3A_55 = tpu.matmul %convert_element_type3A_28, %slice3A_53, %dot_general3A_54 {dimension_numbers = #tpu.dot_dimension_numbers<[1], [0], [0], [1], [0, 0, 1, 1], [], []>, transpose_lhs_hint = false} : vector<512x512xf32>, vector<512x8xf32>, vector<512x8xf32> -> vector<512x8xf32>
    %add3A_56 = vector.broadcast %slice3A_52 : vector<1x8xf32> to vector<512x8xf32>
    %add3A_57 = arith.addf %dot_general3A_55, %add3A_56 : vector<512x8xf32>
    %slice3A_58 = vector.extract_strided_slice %add3A_57 {offsets = [511, 0], sizes = [1, 8], strides = [1, 1]} : vector<512x8xf32> to vector<1x8xf32>
    %slice3A_59 = vector.extract_strided_slice %convert_element_type3A_24 {offsets = [2560, 0], sizes = [512, 8], strides = [1, 1]} : vector<4096x8xf32> to vector<512x8xf32>
    %dot_general3A_60 = arith.constant dense<0.000000e+00> : vector<512x8xf32>
    %dot_general3A_61 = tpu.matmul %convert_element_type3A_28, %slice3A_59, %dot_general3A_60 {dimension_numbers = #tpu.dot_dimension_numbers<[1], [0], [0], [1], [0, 0, 1, 1], [], []>, transpose_lhs_hint = false} : vector<512x512xf32>, vector<512x8xf32>, vector<512x8xf32> -> vector<512x8xf32>
    %add3A_62 = vector.broadcast %slice3A_58 : vector<1x8xf32> to vector<512x8xf32>
    %add3A_63 = arith.addf %dot_general3A_61, %add3A_62 : vector<512x8xf32>
    %slice3A_64 = vector.extract_strided_slice %add3A_63 {offsets = [511, 0], sizes = [1, 8], strides = [1, 1]} : vector<512x8xf32> to vector<1x8xf32>
    %slice3A_65 = vector.extract_strided_slice %convert_element_type3A_24 {offsets = [3072, 0], sizes = [512, 8], strides = [1, 1]} : vector<4096x8xf32> to vector<512x8xf32>
    %dot_general3A_66 = arith.constant dense<0.000000e+00> : vector<512x8xf32>
    %dot_general3A_67 = tpu.matmul %convert_element_type3A_28, %slice3A_65, %dot_general3A_66 {dimension_numbers = #tpu.dot_dimension_numbers<[1], [0], [0], [1], [0, 0, 1, 1], [], []>, transpose_lhs_hint = false} : vector<512x512xf32>, vector<512x8xf32>, vector<512x8xf32> -> vector<512x8xf32>
    %add3A_68 = vector.broadcast %slice3A_64 : vector<1x8xf32> to vector<512x8xf32>
    %add3A_69 = arith.addf %dot_general3A_67, %add3A_68 : vector<512x8xf32>
    %slice3A_70 = vector.extract_strided_slice %add3A_69 {offsets = [511, 0], sizes = [1, 8], strides = [1, 1]} : vector<512x8xf32> to vector<1x8xf32>
    %slice3A_71 = vector.extract_strided_slice %convert_element_type3A_24 {offsets = [3584, 0], sizes = [512, 8], strides = [1, 1]} : vector<4096x8xf32> to vector<512x8xf32>
    %dot_general3A_72 = arith.constant dense<0.000000e+00> : vector<512x8xf32>
    %dot_general3A_73 = tpu.matmul %convert_element_type3A_28, %slice3A_71, %dot_general3A_72 {dimension_numbers = #tpu.dot_dimension_numbers<[1], [0], [0], [1], [0, 0, 1, 1], [], []>, transpose_lhs_hint = false} : vector<512x512xf32>, vector<512x8xf32>, vector<512x8xf32> -> vector<512x8xf32>
    %add3A_74 = vector.broadcast %slice3A_70 : vector<1x8xf32> to vector<512x8xf32>
    %add3A_75 = arith.addf %dot_general3A_73, %add3A_74 : vector<512x8xf32>
    %slice3A_76 = vector.extract_strided_slice %add3A_75 {offsets = [511, 0], sizes = [1, 8], strides = [1, 1]} : vector<512x8xf32> to vector<1x8xf32>
    %concatenate3A_77 = tpu.concatenate %add3A_33, %add3A_39, %add3A_45, %add3A_51, %add3A_57, %add3A_63, %add3A_69, %add3A_75 in 0 : vector<512x8xf32>, vector<512x8xf32>, vector<512x8xf32>, vector<512x8xf32>, vector<512x8xf32>, vector<512x8xf32>, vector<512x8xf32>, vector<512x8xf32> -> vector<4096x8xf32>
    %broadcast_in_dim3A_78 = vector.shape_cast %slice3A_76 : vector<1x8xf32> to vector<1x8xf32>
    %broadcast_in_dim3A_79 = vector.broadcast %broadcast_in_dim3A_78 : vector<1x8xf32> to vector<4096x8xf32>
    %lt3A = vector.broadcast %concatenate3A : vector<4096x1xi32> to vector<4096x8xi32>
    %lt3A_80 = arith.cmpi slt, %iota3A_21, %lt3A : vector<4096x8xi32>
    %jit3A_81 = arith.constant 0.000000e+00 : f32
    %broadcast_in_dim3A_82 = vector.broadcast %jit3A_81 : f32 to vector<4096x8xf32>
    %select_n3A_83 = arith.select %lt3A_80, %broadcast_in_dim3A_79, %broadcast_in_dim3A_82 : vector<4096x8xi1>, vector<4096x8xf32>
    %reduce_sum3A_84 = arith.constant dense<0.000000e+00> : vector<4096xf32>
    %reduce_sum3A_85 = vector.multi_reduction <add>, %select_n3A_83, %reduce_sum3A_84 [1] : vector<4096x8xf32> to vector<4096xf32>
    %broadcast_in_dim3A_86 = vector.shape_cast %reduce_sum3A_85 : vector<4096xf32> to vector<4096x1xf32>
    %eq3A_87 = vector.broadcast %concatenate3A : vector<4096x1xi32> to vector<4096x8xi32>
    %eq3A_88 = arith.cmpi eq, %iota3A_21, %eq3A_87 : vector<4096x8xi32>
    %jit3A_89 = arith.constant 0.000000e+00 : f32
    %broadcast_in_dim3A_90 = vector.broadcast %jit3A_89 : f32 to vector<4096x8xf32>
    %select_n3A_91 = arith.select %eq3A_88, %concatenate3A_77, %broadcast_in_dim3A_90 : vector<4096x8xi1>, vector<4096x8xf32>
    %reduce_sum3A_92 = arith.constant dense<0.000000e+00> : vector<4096xf32>
    %reduce_sum3A_93 = vector.multi_reduction <add>, %select_n3A_91, %reduce_sum3A_92 [1] : vector<4096x8xf32> to vector<4096xf32>
    %broadcast_in_dim3A_94 = vector.shape_cast %reduce_sum3A_93 : vector<4096xf32> to vector<4096x1xf32>
    %add3A_95 = arith.addf %broadcast_in_dim3A_86, %broadcast_in_dim3A_94 : vector<4096x1xf32>
    %sub3A_96 = arith.constant 1.000000e+00 : f32
    %sub3A_97 = vector.broadcast %sub3A_96 : f32 to vector<4096x1xf32>
    %sub3A_98 = arith.subf %add3A_95, %sub3A_97 : vector<4096x1xf32>
    %convert_element_type3A_99 = arith.fptosi %sub3A_98 : vector<4096x1xf32> to vector<4096x1xi32>
    %broadcast_in_dim3A_100 = vector.shape_cast %convert_element_type3A_99 : vector<4096x1xi32> to vector<4096x1xi32>
    %broadcast_in_dim3A_101 = vector.broadcast %broadcast_in_dim3A_100 : vector<4096x1xi32> to vector<4096x8xi32>
    %swap3A = arith.constant 0 : index
    %swap3A_102 = arith.constant 0 : index
    %swap3A_103 = vector.load %arg1[%swap3A, %swap3A_102] : memref<4096x8xi32, #tpu.memory_space<vmem>>, vector<4096x8xi32>
    tpu.vector_store %arg1[%swap3A, %swap3A_102], %broadcast_in_dim3A_101 {strides = array<i32>} : memref<4096x8xi32, #tpu.memory_space<vmem>>, vector<4096x8xi32>,
    %broadcast_in_dim3A_104 = vector.shape_cast %concatenate3A_20 : vector<4096x1xf32> to vector<4096x1xf32>
    %broadcast_in_dim3A_105 = vector.broadcast %broadcast_in_dim3A_104 : vector<4096x1xf32> to vector<4096x8xf32>
    %swap3A_106 = arith.constant 0 : index
    %swap3A_107 = arith.constant 0 : index
    %swap3A_108 = vector.load %arg2[%swap3A_106, %swap3A_107] : memref<4096x8xf32, #tpu.memory_space<vmem>>, vector<4096x8xf32>
    tpu.vector_store %arg2[%swap3A_106, %swap3A_107], %broadcast_in_dim3A_105 {strides = array<i32>} : memref<4096x8xf32, #tpu.memory_space<vmem>>, vector<4096x8xf32>,
    %broadcast_in_dim3A_109 = vector.shape_cast %slice3A_76 : vector<1x8xf32> to vector<1x8xf32>
    %broadcast_in_dim3A_110 = vector.broadcast %broadcast_in_dim3A_109 : vector<1x8xf32> to vector<8x8xf32>
    %convert_element_type3A_111 = arith.fptosi %broadcast_in_dim3A_110 : vector<8x8xf32> to vector<8x8xi32>
    %swap3A_112 = arith.constant 0 : index
    %swap3A_113 = arith.constant 0 : index
    %swap3A_114 = vector.load %arg3[%swap3A_112, %swap3A_113] : memref<8x8xi32, #tpu.memory_space<vmem>>, vector<8x8xi32>
    tpu.vector_store %arg3[%swap3A_112, %swap3A_113], %convert_element_type3A_111 {strides = array<i32>} : memref<8x8xi32, #tpu.memory_space<vmem>>, vector<8x8xi32>,
    return
  }
}

module attributes {stable_mosaic.version = 14 : i64} {
  func.func @_gmm_kernel(%arg0: i32, %arg1: memref<23xi32, #tpu.memory_space<smem>>, %arg2: memref<23xi32, #tpu.memory_space<smem>>, %arg3: memref<23xi32, #tpu.memory_space<smem>>, %arg4: memref<23xi32, #tpu.memory_space<smem>>, %arg5: memref<256x1024xf32, #tpu.memory_space<vmem>>, %arg6: memref<1x2048x1024xbf16, #tpu.memory_space<vmem>>, %arg7: memref<1x2048x1024xbf16, #tpu.memory_space<vmem>>, %arg8: memref<1x1024x2048xbf16, #tpu.memory_space<vmem>>, %arg9: memref<256x1024xf32, #tpu.memory_space<vmem>>) attributes {dimension_semantics = [#tpu.dimension_semantics<arbitrary>], iteration_bounds = array<i64: 23>, scalar_prefetch = 4 : i64, scratch_operands = 0 : i64, tpu.core_type = #tpu.core_type<tc>, window_params = [{transform_indices = @transform_0, window_bounds = array<i64: 256, 1024>}, {transform_indices = @transform_1, window_bounds = array<i64: 1, 2048, 1024>}, {transform_indices = @transform_2, window_bounds = array<i64: 1, 2048, 1024>}, {transform_indices = @transform_3, window_bounds = array<i64: 1, 1024, 2048>}, {transform_indices = @transform_4, window_bounds = array<i64: 256, 1024>}]} {
    %get3A = arith.index_cast %arg0 : i32 to index
    %get3A_0 = memref.load %arg3[%get3A] : memref<23xi32, #tpu.memory_space<smem>>
    %get3A_1 = arith.index_cast %arg0 : i32 to index
    %get3A_2 = memref.load %arg4[%get3A_1] : memref<23xi32, #tpu.memory_space<smem>>
    %get3A_3 = arith.index_cast %arg0 : i32 to index
    %get3A_4 = memref.load %arg1[%get3A_3] : memref<23xi32, #tpu.memory_space<smem>>
    %mul3A = arith.constant 256 : i32
    %mul3A_5 = arith.muli %get3A_4, %mul3A : i32
    %iota3A = tpu.iota {dimensions = array<i32: 0>} : vector<256x1xi32>
    %add3A = vector.broadcast %mul3A_5 : i32 to vector<256x1xi32>
    %add3A_6 = arith.addi %add3A, %iota3A : vector<256x1xi32>
    %ge3A = vector.broadcast %get3A_0 : i32 to vector<256x1xi32>
    %ge3A_7 = arith.cmpi sge, %add3A_6, %ge3A : vector<256x1xi32>
    %lt3A = vector.broadcast %get3A_2 : i32 to vector<256x1xi32>
    %lt3A_8 = arith.cmpi slt, %add3A_6, %lt3A : vector<256x1xi32>
    %and3A = arith.andi %ge3A_7, %lt3A_8 : vector<256x1xi1>
    %convert_element_type3A = arith.extui %and3A : vector<256x1xi1> to vector<256x1xi32>
    %convert_element_type3A_9 = arith.sitofp %convert_element_type3A : vector<256x1xi32> to vector<256x1xf32>
    %get3A_10 = arith.constant 0 : index
    %get3A_11 = arith.constant 0 : index
    %get3A_12 = vector.load %arg5[%get3A_10, %get3A_11] : memref<256x1024xf32, #tpu.memory_space<vmem>>, vector<256x1024xf32>
    %convert_element_type3A_13 = arith.truncf %get3A_12 : vector<256x1024xf32> to vector<256x1024xbf16>
    %broadcast_in_dim3A = arith.constant 0.000000e+00 : f32
    %broadcast_in_dim3A_14 = vector.broadcast %broadcast_in_dim3A : f32 to vector<256x1024xf32>
    %get3A_15 = arith.constant 0 : index
    %get3A_16 = arith.constant 0 : index
    %get3A_17 = arith.constant 0 : index
    %get3A_18 = vector.load %arg6[%get3A_15, %get3A_16, %get3A_17] : memref<1x2048x1024xbf16, #tpu.memory_space<vmem>>, vector<1x2048x1024xbf16>
    %get3A_19 = vector.shape_cast %get3A_18 : vector<1x2048x1024xbf16> to vector<2048x1024xbf16>
    %get3A_20 = arith.constant 0 : index
    %get3A_21 = arith.constant 0 : index
    %get3A_22 = arith.constant 0 : index
    %get3A_23 = vector.load %arg7[%get3A_20, %get3A_21, %get3A_22] : memref<1x2048x1024xbf16, #tpu.memory_space<vmem>>, vector<1x2048x1024xbf16>
    %get3A_24 = vector.shape_cast %get3A_23 : vector<1x2048x1024xbf16> to vector<2048x1024xbf16>
    %dot_general3A = arith.constant dense<0.000000e+00> : vector<256x2048xf32>
    %dot_general3A_25 = tpu.matmul %convert_element_type3A_13, %get3A_19, %dot_general3A {dimension_numbers = #tpu.dot_dimension_numbers<[1], [1], [0], [0], [0, 0, 1, 0], [], []>, transpose_lhs_hint = false} : vector<256x1024xbf16>, vector<2048x1024xbf16>, vector<256x2048xf32> -> vector<256x2048xf32>
    %logistic3A = arith.negf %dot_general3A_25 : vector<256x2048xf32>
    %logistic3A_26 = math.exp %logistic3A : vector<256x2048xf32>
    %logistic3A_27 = arith.constant 1.000000e+00 : f32
    %logistic3A_28 = vector.broadcast %logistic3A_27 : f32 to vector<256x2048xf32>
    %logistic3A_29 = arith.addf %logistic3A_28, %logistic3A_26 : vector<256x2048xf32>
    %logistic3A_30 = arith.divf %logistic3A_28, %logistic3A_29 : vector<256x2048xf32>
    %mul3A_31 = arith.mulf %dot_general3A_25, %logistic3A_30 : vector<256x2048xf32>
    %dot_general3A_32 = arith.constant dense<0.000000e+00> : vector<256x2048xf32>
    %dot_general3A_33 = tpu.matmul %convert_element_type3A_13, %get3A_24, %dot_general3A_32 {dimension_numbers = #tpu.dot_dimension_numbers<[1], [1], [0], [0], [0, 0, 1, 0], [], []>, transpose_lhs_hint = false} : vector<256x1024xbf16>, vector<2048x1024xbf16>, vector<256x2048xf32> -> vector<256x2048xf32>
    %mul3A_34 = arith.mulf %mul3A_31, %dot_general3A_33 : vector<256x2048xf32>
    %get3A_35 = arith.constant 0 : index
    %get3A_36 = arith.constant 0 : index
    %get3A_37 = arith.constant 0 : index
    %get3A_38 = vector.load %arg8[%get3A_35, %get3A_36, %get3A_37] : memref<1x1024x2048xbf16, #tpu.memory_space<vmem>>, vector<1x1024x2048xbf16>
    %get3A_39 = vector.shape_cast %get3A_38 : vector<1x1024x2048xbf16> to vector<1024x2048xbf16>
    %convert_element_type3A_40 = arith.truncf %mul3A_34 : vector<256x2048xf32> to vector<256x2048xbf16>
    %dot_general3A_41 = arith.constant dense<0.000000e+00> : vector<256x1024xf32>
    %dot_general3A_42 = tpu.matmul %convert_element_type3A_40, %get3A_39, %dot_general3A_41 {dimension_numbers = #tpu.dot_dimension_numbers<[1], [1], [0], [0], [0, 0, 1, 0], [], []>, transpose_lhs_hint = false} : vector<256x2048xbf16>, vector<1024x2048xbf16>, vector<256x1024xf32> -> vector<256x1024xf32>
    %add3A_43 = arith.addf %broadcast_in_dim3A_14, %dot_general3A_42 : vector<256x1024xf32>
    %mul3A_44 = vector.broadcast %convert_element_type3A_9 : vector<256x1xf32> to vector<256x1024xf32>
    %mul3A_45 = arith.mulf %add3A_43, %mul3A_44 : vector<256x1024xf32>
    %sub3A = arith.constant 1 : i32
    %sub3A_46 = arith.subi %arg0, %sub3A : i32
    %max3A = arith.constant 0 : i32
    %max3A_47 = arith.maxsi %sub3A_46, %max3A : i32
    %get3A_48 = arith.index_cast %max3A_47 : i32 to index
    %get3A_49 = memref.load %arg1[%get3A_48] : memref<23xi32, #tpu.memory_space<smem>>
    %eq3A = arith.constant 0 : i32
    %eq3A_50 = arith.cmpi eq, %arg0, %eq3A : i32
    %get3A_51 = arith.index_cast %arg0 : i32 to index
    %get3A_52 = memref.load %arg1[%get3A_51] : memref<23xi32, #tpu.memory_space<smem>>
    %ne3A = arith.cmpi ne, %get3A_52, %get3A_49 : i32
    %or3A = arith.ori %eq3A_50, %ne3A : i1
    %convert_element_type3A_53 = arith.extui %or3A : i1 to i32
    %cond3A = arith.constant 0 : i32
    %cond3A_54 = arith.cmpi ne, %convert_element_type3A_53, %cond3A : i32
    scf.if %cond3A_54 {
      %swap3A = arith.constant 0 : index
      %swap3A_59 = arith.constant 0 : index
      %swap3A_60 = vector.load %arg9[%swap3A, %swap3A_59] : memref<256x1024xf32, #tpu.memory_space<vmem>>, vector<256x1024xf32>
      tpu.vector_store %arg9[%swap3A, %swap3A_59], %mul3A_45 {strides = array<i32>} : memref<256x1024xf32, #tpu.memory_space<vmem>>, vector<256x1024xf32>,
    } else {
    }
    %not3A = arith.constant true
    %not3A_55 = arith.xori %or3A, %not3A : i1
    %convert_element_type3A_56 = arith.extui %not3A_55 : i1 to i32
    %cond3A_57 = arith.constant 0 : i32
    %cond3A_58 = arith.cmpi ne, %convert_element_type3A_56, %cond3A_57 : i32
    scf.if %cond3A_58 {
      %get3A_59 = arith.constant 0 : index
      %get3A_60 = arith.constant 0 : index
      %get3A_61 = vector.load %arg9[%get3A_59, %get3A_60] : memref<256x1024xf32, #tpu.memory_space<vmem>>, vector<256x1024xf32>
      %add3A_62 = arith.addf %get3A_61, %mul3A_45 : vector<256x1024xf32>
      %swap3A = arith.constant 0 : index
      %swap3A_63 = arith.constant 0 : index
      %swap3A_64 = vector.load %arg9[%swap3A, %swap3A_63] : memref<256x1024xf32, #tpu.memory_space<vmem>>, vector<256x1024xf32>
      tpu.vector_store %arg9[%swap3A, %swap3A_63], %add3A_62 {strides = array<i32>} : memref<256x1024xf32, #tpu.memory_space<vmem>>, vector<256x1024xf32>,
    } else {
    }
    return
  }
  func.func @transform_0(%arg0: i32, %arg1: memref<23xi32, #tpu.memory_space<smem>>, %arg2: memref<23xi32, #tpu.memory_space<smem>>, %arg3: memref<23xi32, #tpu.memory_space<smem>>, %arg4: memref<23xi32, #tpu.memory_space<smem>>) -> (i32, i32) {
    %get3A = arith.index_cast %arg0 : i32 to index
    %get3A_0 = memref.load %arg1[%get3A] : memref<23xi32, #tpu.memory_space<smem>>
    %c0_i32 = arith.constant 0 : i32
    %c0_i32_1 = arith.constant 0 : i32
    return %get3A_0, %c0_i32 : i32, i32
  }
  func.func @transform_1(%arg0: i32, %arg1: memref<23xi32, #tpu.memory_space<smem>>, %arg2: memref<23xi32, #tpu.memory_space<smem>>, %arg3: memref<23xi32, #tpu.memory_space<smem>>, %arg4: memref<23xi32, #tpu.memory_space<smem>>) -> (i32, i32, i32) {
    %get3A = arith.index_cast %arg0 : i32 to index
    %get3A_0 = memref.load %arg2[%get3A] : memref<23xi32, #tpu.memory_space<smem>>
    %c0_i32 = arith.constant 0 : i32
    %c0_i32_1 = arith.constant 0 : i32
    %c0_i32_2 = arith.constant 0 : i32
    return %get3A_0, %c0_i32, %c0_i32_1 : i32, i32, i32
  }
  func.func @transform_2(%arg0: i32, %arg1: memref<23xi32, #tpu.memory_space<smem>>, %arg2: memref<23xi32, #tpu.memory_space<smem>>, %arg3: memref<23xi32, #tpu.memory_space<smem>>, %arg4: memref<23xi32, #tpu.memory_space<smem>>) -> (i32, i32, i32) {
    %get3A = arith.index_cast %arg0 : i32 to index
    %get3A_0 = memref.load %arg2[%get3A] : memref<23xi32, #tpu.memory_space<smem>>
    %c0_i32 = arith.constant 0 : i32
    %c0_i32_1 = arith.constant 0 : i32
    %c0_i32_2 = arith.constant 0 : i32
    return %get3A_0, %c0_i32, %c0_i32_1 : i32, i32, i32
  }
  func.func @transform_3(%arg0: i32, %arg1: memref<23xi32, #tpu.memory_space<smem>>, %arg2: memref<23xi32, #tpu.memory_space<smem>>, %arg3: memref<23xi32, #tpu.memory_space<smem>>, %arg4: memref<23xi32, #tpu.memory_space<smem>>) -> (i32, i32, i32) {
    %get3A = arith.index_cast %arg0 : i32 to index
    %get3A_0 = memref.load %arg2[%get3A] : memref<23xi32, #tpu.memory_space<smem>>
    %c0_i32 = arith.constant 0 : i32
    %c0_i32_1 = arith.constant 0 : i32
    %c0_i32_2 = arith.constant 0 : i32
    return %get3A_0, %c0_i32, %c0_i32_1 : i32, i32, i32
  }
  func.func @transform_4(%arg0: i32, %arg1: memref<23xi32, #tpu.memory_space<smem>>, %arg2: memref<23xi32, #tpu.memory_space<smem>>, %arg3: memref<23xi32, #tpu.memory_space<smem>>, %arg4: memref<23xi32, #tpu.memory_space<smem>>) -> (i32, i32) {
    %get3A = arith.index_cast %arg0 : i32 to index
    %get3A_0 = memref.load %arg1[%get3A] : memref<23xi32, #tpu.memory_space<smem>>
    %c0_i32 = arith.constant 0 : i32
    %c0_i32_1 = arith.constant 0 : i32
    return %get3A_0, %c0_i32 : i32, i32
  }
}

</mosaic_0001>

<sc_bundles>
// kernel: kernel.10.cloned.1.call-start
scs
__scs_entry_jumppad:
0x0: {  	(pc) =	sbr.rel $0x88, $3  }
0x1: {  	(tag) =	ssettag $0x0;
	lr =	simm.s32 $0x1  }
0x2: {  	[smem:$0x3F9C] =	sst lr;
	_ =	strace $0xD0000000  }
0x3: {  	_ = 	snop  }
0x4: {  	_ = 	snop  }
0x5: {  	_ = 	snop  }
0x6: {  	_ = 	snop  }
0x7: {  	_ = 	snop  }
__scs_overlays_trampoline_lowered:
0x8: {  	[smem:$0x3FAB] =	sst s0  }
0x9: {  	[smem:$0x3FAC] =	sst s1  }
0xa: {  	[smem:$0x3FAD] =	sst s2  }
0xb: {  	[smem:$0x3FAE] =	sst s3  }
0xc: {  	[smem:$0x3FAF] =	sst s4  }
0xd: {  	[smem:$0x3FB0] =	sst s5  }
0xe: {  	[smem:$0x3FB1] =	sst s6  }
0xf: {  	[smem:$0x3FB2] =	sst s7  }
0x10: {  	[smem:$0x3FB3] =	sst s8  }
0x11: {  	[smem:$0x3FB4] =	sst s9;
	s0 =	simm.s32 @!p0 $0x0  }
0x12: {  	s1 =	sld [smem:$0x3F9A];
	s0 =	simm.s32 @p0 $0x1  }
0x13: {  	[smem:$0x3FB5] =	sst s0;
	s0 =	simm.s32 @!p1 $0x0  }
0x14: {  	s2 =	sld [smem:$0x3F99];
	s0 =	simm.s32 @p1 $0x1  }
0x15: {  	[smem:$0x3FB6] =	sst s0;
	s0 =	simm.s32 @!p2 $0x0  }
0x16: {  	s3 =	sld [smem:$0x3FDB];
	s0 =	simm.s32 @p2 $0x1  }
0x17: {  	s4 =	simm.s32 $0x1BF5;
	[smem:$0x3FB8] =	sst s0  }
0x18: {  	s0 =	sld [smem:$0x3F9B];
	_ =	swait.ge [sflag:s4], $0x0  }
0x19: {  	s7 =	sld [smem:$0x3F9C]  }
0x1a: {  	s8 =	sadd.s32 $0xFFFFE003, lr  }
0x1b: {  	s9 =	sadd.s32 $0xFFFFFEF7, lr;
	s5 =	simm.s32 $0xFFFFFFFF;
	p2 =	slt.u32 s8, $0xFFFFF086  }
0x1c: {  	p1 =	slt.u32 s9, $0xF7A;
	s5 =	simm.s32 @!p2 $0x0  }
0x1d: {  	s5 =	simm.s32 @p1 $0x1;
	p0 =	seq.s32 s7, s2  }
0x1e: {  	s7 =	smul.u32 @!p0 $0xF7A, s2;
	p2 =	seq.s32 @!p0 s5, $0x0  }
0x1f: {  	s9 =	smul.u32 $0xF7A, s1;
	s8 =	simm.s32 @!p0 $0x1BF5;
	p2 =	por !p2, p0  }
0x20: {  	[sflag:s8] =	ssyncset.s32 @!p0 $0xFFFFF086;
	s6 =	sadd.s32 @!p0 s3, s7;
	s7 =	simm.s32 @!p0 $0x108  }
0x21: {  	s3 =	sadd.s32 s3, s9;
	s6 =	sadd.s32 @!p0 $0x88, s6;
	s7 =	simm.s32 @p2 $0x1082  }
0x22: {  	[simem:s7], [sflag:s8] =	dma.local @!p0 [hbm:s6], $0xF7A  }
0x23: {  	s9 =	sor.u32 $0xD0000000, s2;
	s6 =	simm.s32 $0x108;
	_ =	swait.ge @!p0 [sflag:s8], $0x0  }
0x24: {  	s3 =	sadd.s32 $0x88, s3;
	s6 =	simm.s32 @!p1 $0x1082;
	[sflag:s4] =	ssyncset.s32 $0xFFFFF086  }
0x25: {  	[simem:s6], [sflag:s4] =	dma.local [hbm:s3], $0xF7A  }
0x26: {  	[smem:$0x3F9C] =	sst s1;
	(tag) =	ssettag s2;
	_ =	strace s9  }
0x27: {  	s1 =	sld [smem:$0x3FAC]  }
0x28: {  	s2 =	sld [smem:$0x3FAD]  }
0x29: {  	s4 =	sld [smem:$0x3FAF]  }
0x2a: {  	p0 =	seq.s32 s5, $0x0;
	s5 =	sld [smem:$0x3FB0]  }
0x2b: {  	s6 =	sld [smem:$0x3FB1]  }
0x2c: {  	s7 =	sld [smem:$0x3FB2]  }
0x2d: {  	s3 =	simm.s32 $0x108;
	s8 =	sld [smem:$0x3FB3]  }
0x2e: {  	s3 =	simm.s32 @!p0 $0x1082;
	s9 =	sld [smem:$0x3FB4]  }
0x2f: {  	lr =	sadd.s32 s0, s3;
	s0 =	sld [smem:$0x3FAB]  }
0x30: {  	s3 =	sld [smem:$0x3FAE]  }
0x31: {  	[smem:$0x3FB7] =	sst s10  }
0x32: {  	s10 =	sld [smem:$0x3FB5];
	_ =	sdelay $0x3  }
0x33: {  	p0 =	seq.s32 s10, $0x1;
	s10 =	sld [smem:$0x3FB7];
	_ =	sdelay $0x3  }
0x34: {  	[smem:$0x3FB7] =	sst s10  }
0x35: {  	s10 =	sld [smem:$0x3FB6];
	_ =	sdelay $0x3  }
0x36: {  	p1 =	seq.s32 s10, $0x1;
	s10 =	sld [smem:$0x3FB7];
	_ =	sdelay $0x3  }
0x37: {  	[smem:$0x3FB7] =	sst s10  }
0x38: {  	s10 =	sld [smem:$0x3FB8]  }
0x39: {  	_ = 	snop;
	(pc) =	sbr.ind lr, $3  }
0x3a: {  	_ = 	snop  }
0x3b: {  	_ = 	snop  }
0x3c: {  	p2 =	seq.s32 s10, $0x1;
	s10 =	sld [smem:$0x3FB7]  }
0x3d: {  	_ =	shalt  }
0x3e: {  	_ =	shalt  }
0x3f: {  	_ =	shalt  }
0x40: {  	_ =	shalt  }
0x41: {  	_ =	shalt  }
0x42: {  	_ =	shalt  }
0x43: {  	_ =	shalt  }
0x44: {  	_ =	shalt  }
0x45: {  	_ =	shalt  }
0x46: {  	_ =	shalt  }
0x47: {  	_ =	shalt  }
0x48: {  	_ =	shalt  }
0x49: {  	_ =	shalt  }
0x4a: {  	_ =	shalt  }
0x4b: {  	_ =	shalt  }
0x4c: {  	_ =	shalt  }
0x4d: {  	_ =	shalt  }
0x4e: {  	_ =	shalt  }
0x4f: {  	_ =	shalt  }
0x50: {  	_ =	shalt  }
0x51: {  	_ =	shalt  }
0x52: {  	_ =	shalt  }
0x53: {  	_ =	shalt  }
0x54: {  	_ =	shalt  }
0x55: {  	_ =	shalt  }
0x56: {  	_ =	shalt  }
0x57: {  	_ =	shalt  }
0x58: {  	_ =	shalt  }
0x59: {  	_ =	shalt  }
0x5a: {  	_ =	shalt  }
0x5b: {  	_ =	shalt  }
0x5c: {  	_ =	shalt  }
0x5d: {  	_ =	shalt  }
0x5e: {  	_ =	shalt  }
0x5f: {  	_ =	shalt  }
0x60: {  	_ =	shalt  }
0x61: {  	_ =	shalt  }
0x62: {  	_ =	shalt  }
0x63: {  	_ =	shalt  }
0x64: {  	_ =	shalt  }
0x65: {  	_ =	shalt  }
0x66: {  	_ =	shalt  }
0x67: {  	_ =	shalt  }
0x68: {  	_ =	shalt  }
0x69: {  	_ =	shalt  }
0x6a: {  	_ =	shalt  }
0x6b: {  	_ =	shalt  }
0x6c: {  	_ =	shalt  }
0x6d: {  	_ =	shalt  }
0x6e: {  	_ =	shalt  }
0x6f: {  	_ =	shalt  }
0x70: {  	_ =	shalt  }
0x71: {  	_ =	shalt  }
0x72: {  	_ =	shalt  }
0x73: {  	_ =	shalt  }
0x74: {  	_ =	shalt  }
0x75: {  	_ =	shalt  }
0x76: {  	_ =	shalt  }
0x77: {  	_ =	shalt  }
0x78: {  	_ =	shalt  }
0x79: {  	_ =	shalt  }
0x7a: {  	_ =	shalt  }
0x7b: {  	_ =	shalt  }
0x7c: {  	_ =	shalt  }
0x7d: {  	_ =	shalt  }
0x7e: {  	_ =	shalt  }
0x7f: {  	_ =	shalt  }
0x80: {  	_ =	shalt  }
0x81: {  	_ =	shalt  }
0x82: {  	_ =	shalt  }
0x83: {  	_ =	shalt  }
0x84: {  	_ =	shalt  }
0x85: {  	_ =	shalt  }
0x86: {  	_ =	shalt  }
0x87: {  	_ =	shalt  }
.Lfunc_end0:
.L_simem_size_0:
called_computation.1_lowered:
.L_overlay_start_0:
0x88: {  	s2 =	sld [smem:$0x3FD9]  }
0x89: {  	s3 =	sld [smem:$0x3FFE];
	_ =	sdelay $0x1  }
0x8a: {  	s1 =	srdreg.scid  }
0x8b: {  	s0 =	sand.u32 $0x1, s1  }
0x8c: {  	s17 =	sshll.u32 s0, $0xA;
	s2 =	sadd.s32 s3, s2  }
0x8d: {  	s2 =	sadd.s32 s2, s17  }
0x8e: {  	[smem:$0x3FC3] =	sst s2  }
0x8f: {  	_ = 	snop  }
0x90: {  	s2 =	sld [smem:$0x3FD0];
	(tm) =	ssettm $0x1  }
0x91: {  	s18 =	sld [smem:$0x3FFB];
	_ =	sdelay $0x3  }
0x92: {  	_ =	strace s18  }
0x93: {  	s3 =	sld [smem:$0x3FFC];
	_ =	sdelay $0x3  }
0x94: {  	_ =	strace s3  }
0x95: {  	s3 =	sld [smem:$0x3FFD];
	_ =	sdelay $0x3  }
0x96: {  	_ =	strace s3  }
0x97: {  	_ =	strace $0x8FFFFFFF  }
0x98: {  	s19 =	sld [smem:$0x3FDB];
	_ =	sdelay $0x1  }
0x99: {  	s4 =	simm.s32 $_scs_section_size  }
0x9a: {  	s5 =	simm.s32 $_size__tile_overlayer_lowered;
	s6 =	simm.s32 $_tile_overlayer_lowered  }
0x9b: {  	s22 =	simm.s32 $0x1BFF;
	s21 =	sshll.u32 s6, $0x1;
	s3 =	sadd.s32 s4, s19  }
0x9c: {  	s7 =	simm.s32 $0x0;
	s20 =	sshll.u32 s5, $0x1;
	s5 =	sadd.s32 s21, s3  }
0x9d: {  	[timem:s7], [sflag:s22] =	dma.local [hbm:s5], s20  }
0x9e: {  	_ =	swait.ge [sflag:s22], s20  }
0x9f: {  	s4 =	ssub.s32 $0x0, s20;
	[sflag:s22] =	ssyncset.done $0x0  }
0xa0: {  	[sflag:s22] =	ssyncadd.s32 s4;
	_ =	sdelay $0x1  }
0xa1: {  	s23 =	simm.s32 $0x1B8B  }
0xa2: {  	_ =	swait.ge [sflag:s23], $0x1  }
0xa3: {  	[sflag:s23] =	ssyncset.done $0x0  }
0xa4: {  	s25 =	simm.s32 $0x1B8E;
	s24 =	sld [smem:$0x3FFE];
	[sflag:s23] =	ssyncadd.s32 $0xFFFFFFFF  }
0xa5: {  	s26 =	simm.s32 $execute0_lowered;
	[smem:$0x3FD2] =	sst s25  }
0xa6: {  	s5 =	sshll.u32 s26, $0x1;
	_ =	strace $0x80000049;
	[dreg:$0x1] =	wrdreg $0xFFFFFFFF  }
0xa7: {  	s28 =	simm.s32 $_size_execute0_lowered;
	s3 =	sadd.s32 s3, s5;
	[dreg:$0x0] =	wrdreg $0x0  }
0xa8: {  	s5 =	sshll.u32 s28, $0x1;
	[dreg:$0x2] =	wrdreg s3  }
0xa9: {  	[dreg:$0x3] =	wrdreg s5  }
0xaa: {  	[dreg:$0x4] =	wrdreg $0xC0  }
0xab: {  	_ =	task [dreg:s7], $0x5FFFF  }
0xac: {  	[dreg:$0x1] =	wrdreg $0xFFFFFFFF  }
0xad: {  	[dreg:$0x0] =	wrdreg $0x60  }
0xae: {  	[dreg:$0x2] =	wrdreg s24  }
0xaf: {  	[dreg:$0x3] =	wrdreg s2  }
0xb0: {  	[dreg:$0x4] =	wrdreg $0x9  }
0xb1: {  	_ =	task.clear_ibuf [dreg:s7], $0x5FFFF;
	_ =	strace $0x90000049  }
0xb2: {  	s29 =	simm.s32 $0x9;
	_ =	strace $0x8000004B  }
0xb3: {  	_ =	swait.ge [sflag:s29], $0x1  }
0xb4: {  	[sflag:s29] =	ssyncadd.s32 $0xFFFFFFFF  }
0xb5: {  	_ =	strace $0x9000004B  }
0xb6: {  	_ =	sfence  }
0xb7: {  	s30 =	sld [smem:$0x0];
	_ =	sdelay $0x2  }
0xb8: {  	s31 =	sshll.u32 s1, $0xD;
	s1 =	sshrl.u32 s1, $0x2  }
0xb9: {  	s3 =	sand.u32 $0x4000, s31;
	s1 =	sadd.s32 s1, s30  }
0xba: {  	s0 =	sor.u32 s3, s0;
	s1 =	sshll.u32 s1, $0x11  }
0xbb: {  	s0 =	sor.u32 s1, s0  }
0xbc: {  	s0 =	sadd.s32 $0x8F2B, s0  }
0xbd: {  	[sflag:s0] =	ssyncadd.remote.s32 $0x1  }
0xbe: {  	_ =	sfence.sel $0xFFFF  }
0xbf: {  	[dreg:$0x0] =	wrdreg $0xFFFFFFFF;
	(pc) =	sbr.abs _section_cstart, $3  }
0xc0: {  	[dreg:$0x1] =	wrdreg $0xFFFFFFFF  }
0xc1: {  	_ =	task.clear_ibuf [dreg:s7], $0x2FFFF;
	_ =	strace $0x9FFFFFFF  }
0xc2: {  	(tm) =	ssettm $0x7FFFFFFF  }
0xc3: {  	_ =	shalt  }
tec
execute0_lowered:
.L_overlay_start_1:
0x0: {  	(tag) =	ssettag $0x1  }
0x1: {  	s0 =	rddreg [dreg:$0x0];
	s1 =	srdreg.scid  }
0x2: {  	s2 =	stileid.u32;
	s4 =	simm.s32 $0x0;
	s15 =	simm.s32 $0x2  }
0x3: {  	s18 =	simm.s32 $0xB900;
	s19 =	simm.s32 $0xC100;
	s20 =	simm.s32 $0xC900  }
0x4: {  	s21 =	simm.s32 $0xD100;
	s22 =	simm.s32 $0xD900;
	s23 =	simm.s32 $0xE100  }
0x5: {  	s24 =	simm.s32 $0xE900;
	s25 =	simm.s32 $0xF100;
	s28 =	simm.s32 $0x1  }
0x6: {  	s29 =	simm.s32 $0x14100;
	s17 =	simm.s32 $0x0;
	s1 =	sand.u32 $0x1, s1  }
0x7: {  	s2 =	sshll.u32 s2, $0x7;
	[smem:$0x7FF] =	sst s4;
	s5 =	sadd.s32 $0x600, s0  }
0x8: {  	s6 =	sadd.s32 $0x400, s0;
	s3 =	sshll.u32 s1, $0x6;
	s1 =	ssub.s32 $0x2, s1  }
0x9: {  	s9 =	sadd.s32 $0x500, s0;
	s4 =	sor.u32 s3, s2;
	s26 =	sshrl.u32 s1, $0x1  }
0xa: {  	s10 =	sadd.s32 $0x700, s0;
	s2 =	sshll.u32 s4, $0x4;
	s1 =	ssub.s32 s1, s26  }
0xb: {  	s11 =	sadd.s32 $0x800, s0;
	s2 =	sadd.s32 s2, s0;
	s31 =	smax.u32 s1, $0x1  }
0xc: {  	v2 =	vlaneseq.u32;
	_ =	strace $0x8000004A;
	s30 =	sadd.s32 $0x80600, s2;
	[dreg:$0x5] =	wrdreg s31  }
0xd: {  	vm0 =	vmmov $0xffff;
	s12 =	sadd.s32 $0x900, s0;
	v1 =	vshrl.u32 v2, $0x3;
	s2 =	sadd.s32 $0x88600, s2;
	[dreg:$0x3] =	wrdreg s30  }
0xe: {  	v0 =	vand.u32 $0x7, v2;
	v2 =	vor.u32 $0x8, v2;
	v1 =	vmul.u32 $0x8, v1;
	s26 =	simm.s32 $0xF900;
	s1 =	simm.s32 $0x0;
	[dreg:$0x4] =	wrdreg s2  }
.LBB2_1:
0xf: {  	[dreg:$0x6] =	wrdreg s1  }
0x10: {  	s0 =	simm.s32 $0x0;
	s14 =	rddreg [dreg:$0x3];
	s2 =	simm.s32 $0x10100  }
0x11: {  	[tilespmem:s2], [sflag:$0x2] =	stream.linear.gather [hbm4b:s14+s0], $0x2000, $0x38;
	[tilespmem:$0x1C100] =	vst v63  }
0x12: {  	_ =	swait.ge [sflag:s15], $0x2000  }
0x13: {  	[sflag:s15] =	ssyncset.done $0x0  }
0x14: {  	s31 =	simm.s32 $0x12100;
	s16 =	rddreg [dreg:$0x4];
	[sflag:s15] =	ssyncadd.s32 $0xFFFFE000  }
0x15: {  	[tilespmem:s31], [sflag:$0x2] =	stream.linear.gather [hbm4b:s16+s0], $0x2000, $0x38;
	[tilespmem:$0x1C100] =	vst v63  }
0x16: {  	_ =	swait.ge [sflag:s15], $0x2000  }
0x17: {  	[sflag:s15] =	ssyncset.done $0x0  }
0x18: {  	p0 =	por $0x1, $0x1;
	s30 =	simm.s32 $0x0;
	[sflag:s15] =	ssyncadd.s32 $0xFFFFE000  }
.LBB2_2:
0x19: {  	s31 =	sor.u32 s4, s30  }
0x1a: {  	s1 =	sshrl.u32 s31, $0x3  }
0x1b: {  	s0 =	simm.s32 $0x0;
	s7 =	sadd.s32 s6, s1  }
0x1c: {  	[tilespmem:s0], [sflag:$0x2] =	stream.linear.gather [hbm4b:s7+s0], $0x20, $0x38;
	[tilespmem:$0x1C100] =	vst v63  }
0x1d: {  	_ =	swait.ge [sflag:s15], $0x20  }
0x1e: {  	[sflag:s15] =	ssyncset.done $0x0  }
0x1f: {  	s2 =	simm.s32 $0x80;
	s1 =	sadd.s32 s1, s9;
	[sflag:s15] =	ssyncadd.s32 $0xFFFFFFE0  }
0x20: {  	[tilespmem:s2], [sflag:$0x2] =	stream.linear.gather [hbm4b:s1+s0], $0x20, $0x38;
	[tilespmem:$0x1C100] =	vst v63  }
0x21: {  	_ =	swait.ge [sflag:s15], $0x20  }
0x22: {  	[sflag:s15] =	ssyncset.done $0x0  }
0x23: {  	[sflag:s15] =	ssyncadd.s32 $0xFFFFFFE0  }
0x24: {  	v3 =	vld [tilespmem:$0x0];
	_ =	sdelay $0x4  }
0x25: {  	v4 =	vshll.u32 v3, $0x3  }
0x26: {  	v3 =	vand.u32 $0x7, v3;
	v4 =	vand.u32 $0xFFFFFFC0, v4  }
0x27: {  	v3 =	vor.u32 v3, v4  }
0x28: {  	v4 =	vperm.xlane v3, v0;
	_ =	sdelay $0x1  }
0x29: {  	v4 =	vadd.s32 v1, v4;
	_ =	sdelay $0x3  }
0x2a: {  	s14 =	simm.s32 $0x100  }
0x2b: {  	[tilespmem:s14], [sflag:$0x1] =	stream.indirect_vreg.gather [hbm4b:s5+s0], $0x80, v4, vm0, $0xb8;
	[tilespmem:$0x1C100] =	vst v63  }
0x2c: {  	s16 =	simm.s32 $0x900;
	v3 =	vperm.xlane v3, v2  }
0x2d: {  	[tilespmem:s16], [sflag:$0x1] =	stream.indirect_vreg.gather [hbm4b:s10+s0], $0x80, v4, vm0, $0xb8;
	[tilespmem:$0x1C100] =	vst v63  }
0x2e: {  	s2 =	simm.s32 $0x1100;
	v3 =	vadd.s32 v1, v3  }
0x2f: {  	[tilespmem:s2], [sflag:$0x1] =	stream.indirect_vreg.gather [hbm4b:s11+s0], $0x80, v4, vm0, $0xb8;
	[tilespmem:$0x1C100] =	vst v63  }
0x30: {  	s3 =	simm.s32 $0x1900  }
0x31: {  	[tilespmem:s3], [sflag:$0x1] =	stream.indirect_vreg.gather [hbm4b:s12+s0], $0x80, v4, vm0, $0xb8;
	[tilespmem:$0x1C100] =	vst v63  }
0x32: {  	s7 =	simm.s32 $0x2100  }
0x33: {  	[tilespmem:s7], [sflag:$0x1] =	stream.indirect_vreg.gather [hbm4b:s5+s0], $0x80, v3, vm0, $0xb8;
	[tilespmem:$0x1C100] =	vst v63  }
0x34: {  	s8 =	simm.s32 $0x2900  }
0x35: {  	[tilespmem:s8], [sflag:$0x1] =	stream.indirect_vreg.gather [hbm4b:s10+s0], $0x80, v3, vm0, $0xb8;
	[tilespmem:$0x1C100] =	vst v63  }
0x36: {  	s13 =	simm.s32 $0x3100  }
0x37: {  	[tilespmem:s13], [sflag:$0x1] =	stream.indirect_vreg.gather [hbm4b:s11+s0], $0x80, v3, vm0, $0xb8;
	[tilespmem:$0x1C100] =	vst v63  }
0x38: {  	s14 =	simm.s32 $0x3900  }
0x39: {  	[tilespmem:s14], [sflag:$0x1] =	stream.indirect_vreg.gather [hbm4b:s12+s0], $0x80, v3, vm0, $0xb8;
	[tilespmem:$0x1C100] =	vst v63  }
0x3a: {  	v3 =	vld [tilespmem:$0x10];
	_ =	sdelay $0x4  }
0x3b: {  	v61 =	vshll.u32 v3, $0x3  }
0x3c: {  	v3 =	vand.u32 $0x7, v3;
	v4 =	vand.u32 $0xFFFFFFC0, v61  }
0x3d: {  	v3 =	vor.u32 v3, v4  }
0x3e: {  	v4 =	vperm.xlane v3, v0;
	_ =	sdelay $0x1  }
0x3f: {  	v4 =	vadd.s32 v1, v4;
	_ =	sdelay $0x3  }
0x40: {  	s16 =	simm.s32 $0x4100  }
0x41: {  	[tilespmem:s16], [sflag:$0x1] =	stream.indirect_vreg.gather [hbm4b:s5+s0], $0x80, v4, vm0, $0xb8;
	[tilespmem:$0x1C100] =	vst v63  }
0x42: {  	s2 =	simm.s32 $0x4900;
	v3 =	vperm.xlane v3, v2  }
0x43: {  	[tilespmem:s2], [sflag:$0x1] =	stream.indirect_vreg.gather [hbm4b:s10+s0], $0x80, v4, vm0, $0xb8;
	[tilespmem:$0x1C100] =	vst v63  }
0x44: {  	s3 =	simm.s32 $0x5100;
	v3 =	vadd.s32 v1, v3  }
0x45: {  	[tilespmem:s3], [sflag:$0x1] =	stream.indirect_vreg.gather [hbm4b:s11+s0], $0x80, v4, vm0, $0xb8;
	[tilespmem:$0x1C100] =	vst v63  }
0x46: {  	s7 =	simm.s32 $0x5900  }
0x47: {  	[tilespmem:s7], [sflag:$0x1] =	stream.indirect_vreg.gather [hbm4b:s12+s0], $0x80, v4, vm0, $0xb8;
	[tilespmem:$0x1C100] =	vst v63  }
0x48: {  	s8 =	simm.s32 $0x6100  }
0x49: {  	[tilespmem:s8], [sflag:$0x1] =	stream.indirect_vreg.gather [hbm4b:s5+s0], $0x80, v3, vm0, $0xb8;
	[tilespmem:$0x1C100] =	vst v63  }
0x4a: {  	s13 =	simm.s32 $0x6900  }
0x4b: {  	[tilespmem:s13], [sflag:$0x1] =	stream.indirect_vreg.gather [hbm4b:s10+s0], $0x80, v3, vm0, $0xb8;
	[tilespmem:$0x1C100] =	vst v63  }
0x4c: {  	s14 =	simm.s32 $0x7100  }
0x4d: {  	[tilespmem:s14], [sflag:$0x1] =	stream.indirect_vreg.gather [hbm4b:s11+s0], $0x80, v3, vm0, $0xb8;
	[tilespmem:$0x1C100] =	vst v63  }
0x4e: {  	s16 =	simm.s32 $0x7900  }
0x4f: {  	[tilespmem:s16], [sflag:$0x1] =	stream.indirect_vreg.gather [hbm4b:s12+s0], $0x80, v3, vm0, $0xb8;
	[tilespmem:$0x1C100] =	vst v63  }
0x50: {  	v3 =	vld [tilespmem:$0x80];
	_ =	sdelay $0x4  }
0x51: {  	v62 =	vshll.u32 v3, $0x3  }
0x52: {  	v3 =	vand.u32 $0x7, v3;
	v4 =	vand.u32 $0xFFFFFFC0, v62  }
0x53: {  	v3 =	vor.u32 v3, v4  }
0x54: {  	v4 =	vperm.xlane v3, v0;
	_ =	sdelay $0x1  }
0x55: {  	v4 =	vadd.s32 v1, v4;
	_ =	sdelay $0x3  }
0x56: {  	s2 =	simm.s32 $0x8100  }
0x57: {  	[tilespmem:s2], [sflag:$0x1] =	stream.indirect_vreg.gather [hbm4b:s5+s0], $0x80, v4, vm0, $0xb8;
	[tilespmem:$0x1C100] =	vst v63  }
0x58: {  	s3 =	simm.s32 $0x8900;
	v3 =	vperm.xlane v3, v2  }
0x59: {  	[tilespmem:s3], [sflag:$0x1] =	stream.indirect_vreg.gather [hbm4b:s10+s0], $0x80, v4, vm0, $0xb8;
	[tilespmem:$0x1C100] =	vst v63  }
0x5a: {  	s7 =	simm.s32 $0x9100;
	v3 =	vadd.s32 v1, v3  }
0x5b: {  	[tilespmem:s7], [sflag:$0x1] =	stream.indirect_vreg.gather [hbm4b:s11+s0], $0x80, v4, vm0, $0xb8;
	[tilespmem:$0x1C100] =	vst v63  }
0x5c: {  	s8 =	simm.s32 $0x9900  }
0x5d: {  	[tilespmem:s8], [sflag:$0x1] =	stream.indirect_vreg.gather [hbm4b:s12+s0], $0x80, v4, vm0, $0xb8;
	[tilespmem:$0x1C100] =	vst v63  }
0x5e: {  	s13 =	simm.s32 $0xA100  }
0x5f: {  	[tilespmem:s13], [sflag:$0x1] =	stream.indirect_vreg.gather [hbm4b:s5+s0], $0x80, v3, vm0, $0xb8;
	[tilespmem:$0x1C100] =	vst v63  }
0x60: {  	s14 =	simm.s32 $0xA900  }
0x61: {  	[tilespmem:s14], [sflag:$0x1] =	stream.indirect_vreg.gather [hbm4b:s10+s0], $0x80, v3, vm0, $0xb8;
	[tilespmem:$0x1C100] =	vst v63  }
0x62: {  	s16 =	simm.s32 $0xB100  }
0x63: {  	[tilespmem:s16], [sflag:$0x1] =	stream.indirect_vreg.gather [hbm4b:s11+s0], $0x80, v3, vm0, $0xb8;
	[tilespmem:$0x1C100] =	vst v63  }
0x64: {  	_ = 	snop  }
0x65: {  	[tilespmem:s18], [sflag:$0x1] =	stream.indirect_vreg.gather [hbm4b:s12+s0], $0x80, v3, vm0, $0xb8;
	[tilespmem:$0x1C100] =	vst v63  }
0x66: {  	v3 =	vld [tilespmem:$0x90];
	_ =	sdelay $0x4  }
0x67: {  	v63 =	vshll.u32 v3, $0x3  }
0x68: {  	v3 =	vand.u32 $0x7, v3;
	v4 =	vand.u32 $0xFFFFFFC0, v63  }
0x69: {  	v3 =	vor.u32 v3, v4  }
0x6a: {  	v4 =	vperm.xlane v3, v0;
	_ =	sdelay $0x1  }
0x6b: {  	v4 =	vadd.s32 v1, v4;
	_ =	sdelay $0x4  }
0x6c: {  	[tilespmem:s19], [sflag:$0x1] =	stream.indirect_vreg.gather [hbm4b:s5+s0], $0x80, v4, vm0, $0xb8;
	[tilespmem:$0x1C100] =	vst v63  }
0x6d: {  	v3 =	vperm.xlane v3, v2  }
0x6e: {  	[tilespmem:s20], [sflag:$0x1] =	stream.indirect_vreg.gather [hbm4b:s10+s0], $0x80, v4, vm0, $0xb8;
	[tilespmem:$0x1C100] =	vst v63  }
0x6f: {  	v3 =	vadd.s32 v1, v3  }
0x70: {  	[tilespmem:s21], [sflag:$0x1] =	stream.indirect_vreg.gather [hbm4b:s11+s0], $0x80, v4, vm0, $0xb8;
	[tilespmem:$0x1C100] =	vst v63  }
0x71: {  	_ = 	snop  }
0x72: {  	[tilespmem:s22], [sflag:$0x1] =	stream.indirect_vreg.gather [hbm4b:s12+s0], $0x80, v4, vm0, $0xb8;
	[tilespmem:$0x1C100] =	vst v63  }
0x73: {  	_ = 	snop  }
0x74: {  	[tilespmem:s23], [sflag:$0x1] =	stream.indirect_vreg.gather [hbm4b:s5+s0], $0x80, v3, vm0, $0xb8;
	[tilespmem:$0x1C100] =	vst v63  }
0x75: {  	_ = 	snop  }
0x76: {  	[tilespmem:s24], [sflag:$0x1] =	stream.indirect_vreg.gather [hbm4b:s10+s0], $0x80, v3, vm0, $0xb8;
	[tilespmem:$0x1C100] =	vst v63  }
0x77: {  	_ = 	snop  }
0x78: {  	[tilespmem:s25], [sflag:$0x1] =	stream.indirect_vreg.gather [hbm4b:s11+s0], $0x80, v3, vm0, $0xb8;
	[tilespmem:$0x1C100] =	vst v63  }
0x79: {  	_ = 	snop  }
0x7a: {  	[tilespmem:s26], [sflag:$0x1] =	stream.indirect_vreg.gather [hbm4b:s12+s0], $0x80, v3, vm0, $0xb8;
	[tilespmem:$0x1C100] =	vst v63  }
0x7b: {  	_ =	swait.ge [sflag:s28], $0x8000  }
0x7c: {  	[sflag:s28] =	ssyncset.done $0x0  }
0x7d: {  	[sflag:s28] =	ssyncadd.s32 $0xFFFF8000  }
0x7e: {  	_ =	swait.ge [sflag:s28], $0x8000  }
0x7f: {  	[sflag:s28] =	ssyncset.done $0x0  }
0x80: {  	p1 =	por p0, p0;
	s1 =	simm.s32 $0x0;
	[sflag:s28] =	ssyncadd.s32 $0xFFFF8000  }
.LBB2_3:
0x81: {  	s7 =	sshll.u32 s1, $0xA;
	s8 =	sshll.u32 s1, $0x7  }
0x82: {  	s13 =	sor.u32 s30, s1;
	s7 =	sand.u32 $0x6000, s7;
	s8 =	sand.u32 $0x380, s8  }
0x83: {  	s2 =	sand.u32 $0x1C00, s0;
	s13 =	sshll.u32 s13, $0x7;
	s14 =	sor.u32 s7, s8  }
0x84: {  	s3 =	sand.u32 $0x70, s0;
	v3 =	vld [tilespmem:s13+$0x10100];
	s7 =	sor.u32 s2, s14  }
0x85: {  	v4 =	vld [tilespmem:s13+$0x12100];
	s16 =	sor.u32 s3, s7  }
0x86: {  	v5 =	vld [tilespmem:s16+$0x100]  }
0x87: {  	v6 =	vld [tilespmem:s16+$0x8100]  }
0x88: {  	s8 =	simm.s32 $0x80  }
0x89: {  	s13 =	simm.s32 $0x10;
	s7 =	sand.u32 $0x1C00, s8  }
0x8a: {  	s8 =	sand.u32 $0x70, s13;
	s7 =	sor.u32 s7, s14  }
0x8b: {  	s7 =	sor.u32 s8, s7  }
0x8c: {  	v7 =	vmul.f32 v5, v3;
	v8 =	vmul.f32 v6, v4;
	v5 =	vld [tilespmem:s7+$0x100]  }
0x8d: {  	v6 =	vld [tilespmem:s7+$0x8100]  }
0x8e: {  	s13 =	simm.s32 $0x100;
	s8 =	simm.s32 $0x20;
	v7 =	vadd.f32 v8, v7  }
.LBB2_4:
0x8f: {  	s2 =	sand.u32 $0x70, s8;
	s3 =	sand.u32 $0x1C00, s13;
	p0 =	sne.s32 s8, $0x3F0  }
.Ltmp0:
0x90: {  	s8 =	sadd.s32 $0x10, s8;
	s3 =	sor.u32 s3, s14;
	[tilespmem:s16+$0x14100] =	vst v7;
	(pc) =	sbr.rel @p0 .LBB2_4-.Ltmp0, $4  }
0x91: {  	s16 =	smov.u32 s7;
	s7 =	sor.u32 s2, s3  }
0x92: {  	v7 =	vmul.f32 v5, v3;
	v5 =	vld [tilespmem:s7+$0x100];
	v8 =	vmul.f32 v6, v4  }
0x93: {  	v6 =	vld [tilespmem:s7+$0x8100]  }
0x94: {  	s13 =	sadd.s32 $0x80, s13;
	v7 =	vadd.f32 v8, v7  }
0x95: {  	_ = 	snop  }
0x96: {  	s1 =	sadd.s32 $0x1, s1  }
0x97: {  	p0 =	sne.s32 s1, $0x20  }
.Ltmp1:
0x98: {  	v3 =	vmul.f32 v5, v3;
	v4 =	vmul.f32 v6, v4;
	(pc) =	sbr.rel @p0 .LBB2_3-.Ltmp1, $4  }
0x99: {  	_ = 	snop  }
0x9a: {  	v3 =	vadd.f32 v4, v3  }
0x9b: {  	[tilespmem:s16+$0x14100] =	vst v7  }
0x9c: {  	[tilespmem:s7+$0x14100] =	vst v3  }
0x9d: {  	s0 =	sshll.u32 s31, $0x7;
	s1 =	rddreg [dreg:$0x1]  }
.Ltmp2:
0x9e: {  	s0 =	sadd.s32 s1, s0;
	(pc) =	sbr.rel @p1 .LBB2_2-.Ltmp2, $4  }
0x9f: {  	[hbm4b:s0+s17] =	stream.linear.scatter [tilespmem:s29], [sflag:$0x2], $0x8000, $0x38;
	[tilespmem:$0x1C100] =	vst v63  }
0xa0: {  	_ =	swait.ge [sflag:s15], $0x8000  }
0xa1: {  	[sflag:s15] =	ssyncset.done $0x0  }
0xa2: {  	s30 =	simm.s32 $0x20;
	p0 =	por $0x0, $0x0;
	[sflag:s15] =	ssyncadd.s32 $0xFFFF8000  }
0xa3: {  	s1 =	rddreg [dreg:$0x6]  }
0xa4: {  	s0 =	rddreg [dreg:$0x5];
	s1 =	sadd.s32 $0x1, s1  }
0xa5: {  	p0 =	sne.s32 s1, s0  }
.Ltmp3:
0xa6: {  	_ = 	snop;
	(pc) =	sbr.rel @p0 .LBB2_1-.Ltmp3, $1  }
0xa7: {  	_ =	sdelay $0x3  }
0xa8: {  	_ =	sfence.sel $0x180000  }
0xa9: {  	[bflag:$0x0] =	sbarrier.arrive $0xFFFF  }
0xaa: {  	_ =	strace $0x9000004A  }
0xab: {  	s0 =	stileid.u32;
	[bflag:$0x2] =	sbarrier.arrive $0xFFFF  }
0xac: {  	p0 =	sne.s32 s0, $0x0;
	s0 =	rddreg [dreg:$0x2]  }
0xad: {  	s0 =	sadd.s32 @!p0 $0x100000, s0  }
0xae: {  	[sflag:s0] =	ssyncadd.tile.s32 @!p0 $0x1;
	_ =	shalt  }
.Lfunc_end2:
_tile_overlayer_lowered:
.L_overlay_start_2:
0xaf: {  	(tag) =	ssettag $0x2  }
0xb0: {  	s0 =	rddreg [dreg:$0x0];
	s2 =	stileid.u32  }
0xb1: {  	s1 =	rddreg [dreg:$0x1];
	p0 =	sne.s32 s2, $0x0  }
0xb2: {  	s3 =	rddreg [dreg:$0x2];
	[bflag:$0x3] =	sbarrier.arrive $0xFFFF;
	s2 =	simm.s32 @!p0 $0x1C02  }
0xb3: {  	[timem:s3], [sflag:s2] =	dma.local @!p0 [hbm:s0], s1  }
0xb4: {  	s0 =	simm.s32 @!p0 $0x2  }
0xb5: {  	_ =	swait.ge @!p0 [sflag:s0], s1  }
0xb6: {  	s1 =	ssub.s32 @!p0 $0x0, s1;
	[sflag:s0] =	ssyncset.done @!p0 $0x0  }
0xb7: {  	[sflag:s0] =	ssyncadd.s32 @!p0 s1  }
0xb8: {  	[bflag:$0x3] =	sbarrier.arrive $0xFFFF  }
0xb9: {  	_ =	shalt  }

// kernel: kernel.7.cloned.1.call-start
scs
__scs_entry_jumppad:
0x0: {  	(pc) =	sbr.rel $0x88, $3  }
0x1: {  	(tag) =	ssettag $0x0;
	lr =	simm.s32 $0x1  }
0x2: {  	[smem:$0x3F9C] =	sst lr;
	_ =	strace $0xD0000000  }
0x3: {  	_ = 	snop  }
0x4: {  	_ = 	snop  }
0x5: {  	_ = 	snop  }
0x6: {  	_ = 	snop  }
0x7: {  	_ = 	snop  }
__scs_overlays_trampoline_lowered:
0x8: {  	[smem:$0x3FAB] =	sst s0  }
0x9: {  	[smem:$0x3FAC] =	sst s1  }
0xa: {  	[smem:$0x3FAD] =	sst s2  }
0xb: {  	[smem:$0x3FAE] =	sst s3  }
0xc: {  	[smem:$0x3FAF] =	sst s4  }
0xd: {  	[smem:$0x3FB0] =	sst s5  }
0xe: {  	[smem:$0x3FB1] =	sst s6  }
0xf: {  	[smem:$0x3FB2] =	sst s7  }
0x10: {  	[smem:$0x3FB3] =	sst s8  }
0x11: {  	[smem:$0x3FB4] =	sst s9;
	s0 =	simm.s32 @!p0 $0x0  }
0x12: {  	s1 =	sld [smem:$0x3F9A];
	s0 =	simm.s32 @p0 $0x1  }
0x13: {  	[smem:$0x3FB5] =	sst s0;
	s0 =	simm.s32 @!p1 $0x0  }
0x14: {  	s2 =	sld [smem:$0x3F99];
	s0 =	simm.s32 @p1 $0x1  }
0x15: {  	[smem:$0x3FB6] =	sst s0;
	s0 =	simm.s32 @!p2 $0x0  }
0x16: {  	s3 =	sld [smem:$0x3FDB];
	s0 =	simm.s32 @p2 $0x1  }
0x17: {  	s4 =	simm.s32 $0x1BF5;
	[smem:$0x3FB8] =	sst s0  }
0x18: {  	s0 =	sld [smem:$0x3F9B];
	_ =	swait.ge [sflag:s4], $0x0  }
0x19: {  	s7 =	sld [smem:$0x3F9C]  }
0x1a: {  	s8 =	sadd.s32 $0xFFFFE003, lr  }
0x1b: {  	s9 =	sadd.s32 $0xFFFFFEF7, lr;
	s5 =	simm.s32 $0xFFFFFFFF;
	p2 =	slt.u32 s8, $0xFFFFF086  }
0x1c: {  	p1 =	slt.u32 s9, $0xF7A;
	s5 =	simm.s32 @!p2 $0x0  }
0x1d: {  	s5 =	simm.s32 @p1 $0x1;
	p0 =	seq.s32 s7, s2  }
0x1e: {  	s7 =	smul.u32 @!p0 $0xF7A, s2;
	p2 =	seq.s32 @!p0 s5, $0x0  }
0x1f: {  	s9 =	smul.u32 $0xF7A, s1;
	s8 =	simm.s32 @!p0 $0x1BF5;
	p2 =	por !p2, p0  }
0x20: {  	[sflag:s8] =	ssyncset.s32 @!p0 $0xFFFFF086;
	s6 =	sadd.s32 @!p0 s3, s7;
	s7 =	simm.s32 @!p0 $0x108  }
0x21: {  	s3 =	sadd.s32 s3, s9;
	s6 =	sadd.s32 @!p0 $0x88, s6;
	s7 =	simm.s32 @p2 $0x1082  }
0x22: {  	[simem:s7], [sflag:s8] =	dma.local @!p0 [hbm:s6], $0xF7A  }
0x23: {  	s9 =	sor.u32 $0xD0000000, s2;
	s6 =	simm.s32 $0x108;
	_ =	swait.ge @!p0 [sflag:s8], $0x0  }
0x24: {  	s3 =	sadd.s32 $0x88, s3;
	s6 =	simm.s32 @!p1 $0x1082;
	[sflag:s4] =	ssyncset.s32 $0xFFFFF086  }
0x25: {  	[simem:s6], [sflag:s4] =	dma.local [hbm:s3], $0xF7A  }
0x26: {  	[smem:$0x3F9C] =	sst s1;
	(tag) =	ssettag s2;
	_ =	strace s9  }
0x27: {  	s1 =	sld [smem:$0x3FAC]  }
0x28: {  	s2 =	sld [smem:$0x3FAD]  }
0x29: {  	s4 =	sld [smem:$0x3FAF]  }
0x2a: {  	p0 =	seq.s32 s5, $0x0;
	s5 =	sld [smem:$0x3FB0]  }
0x2b: {  	s6 =	sld [smem:$0x3FB1]  }
0x2c: {  	s7 =	sld [smem:$0x3FB2]  }
0x2d: {  	s3 =	simm.s32 $0x108;
	s8 =	sld [smem:$0x3FB3]  }
0x2e: {  	s3 =	simm.s32 @!p0 $0x1082;
	s9 =	sld [smem:$0x3FB4]  }
0x2f: {  	lr =	sadd.s32 s0, s3;
	s0 =	sld [smem:$0x3FAB]  }
0x30: {  	s3 =	sld [smem:$0x3FAE]  }
0x31: {  	[smem:$0x3FB7] =	sst s10  }
0x32: {  	s10 =	sld [smem:$0x3FB5];
	_ =	sdelay $0x3  }
0x33: {  	p0 =	seq.s32 s10, $0x1;
	s10 =	sld [smem:$0x3FB7];
	_ =	sdelay $0x3  }
0x34: {  	[smem:$0x3FB7] =	sst s10  }
0x35: {  	s10 =	sld [smem:$0x3FB6];
	_ =	sdelay $0x3  }
0x36: {  	p1 =	seq.s32 s10, $0x1;
	s10 =	sld [smem:$0x3FB7];
	_ =	sdelay $0x3  }
0x37: {  	[smem:$0x3FB7] =	sst s10  }
0x38: {  	s10 =	sld [smem:$0x3FB8]  }
0x39: {  	_ = 	snop;
	(pc) =	sbr.ind lr, $3  }
0x3a: {  	_ = 	snop  }
0x3b: {  	_ = 	snop  }
0x3c: {  	p2 =	seq.s32 s10, $0x1;
	s10 =	sld [smem:$0x3FB7]  }
0x3d: {  	_ =	shalt  }
0x3e: {  	_ =	shalt  }
0x3f: {  	_ =	shalt  }
0x40: {  	_ =	shalt  }
0x41: {  	_ =	shalt  }
0x42: {  	_ =	shalt  }
0x43: {  	_ =	shalt  }
0x44: {  	_ =	shalt  }
0x45: {  	_ =	shalt  }
0x46: {  	_ =	shalt  }
0x47: {  	_ =	shalt  }
0x48: {  	_ =	shalt  }
0x49: {  	_ =	shalt  }
0x4a: {  	_ =	shalt  }
0x4b: {  	_ =	shalt  }
0x4c: {  	_ =	shalt  }
0x4d: {  	_ =	shalt  }
0x4e: {  	_ =	shalt  }
0x4f: {  	_ =	shalt  }
0x50: {  	_ =	shalt  }
0x51: {  	_ =	shalt  }
0x52: {  	_ =	shalt  }
0x53: {  	_ =	shalt  }
0x54: {  	_ =	shalt  }
0x55: {  	_ =	shalt  }
0x56: {  	_ =	shalt  }
0x57: {  	_ =	shalt  }
0x58: {  	_ =	shalt  }
0x59: {  	_ =	shalt  }
0x5a: {  	_ =	shalt  }
0x5b: {  	_ =	shalt  }
0x5c: {  	_ =	shalt  }
0x5d: {  	_ =	shalt  }
0x5e: {  	_ =	shalt  }
0x5f: {  	_ =	shalt  }
0x60: {  	_ =	shalt  }
0x61: {  	_ =	shalt  }
0x62: {  	_ =	shalt  }
0x63: {  	_ =	shalt  }
0x64: {  	_ =	shalt  }
0x65: {  	_ =	shalt  }
0x66: {  	_ =	shalt  }
0x67: {  	_ =	shalt  }
0x68: {  	_ =	shalt  }
0x69: {  	_ =	shalt  }
0x6a: {  	_ =	shalt  }
0x6b: {  	_ =	shalt  }
0x6c: {  	_ =	shalt  }
0x6d: {  	_ =	shalt  }
0x6e: {  	_ =	shalt  }
0x6f: {  	_ =	shalt  }
0x70: {  	_ =	shalt  }
0x71: {  	_ =	shalt  }
0x72: {  	_ =	shalt  }
0x73: {  	_ =	shalt  }
0x74: {  	_ =	shalt  }
0x75: {  	_ =	shalt  }
0x76: {  	_ =	shalt  }
0x77: {  	_ =	shalt  }
0x78: {  	_ =	shalt  }
0x79: {  	_ =	shalt  }
0x7a: {  	_ =	shalt  }
0x7b: {  	_ =	shalt  }
0x7c: {  	_ =	shalt  }
0x7d: {  	_ =	shalt  }
0x7e: {  	_ =	shalt  }
0x7f: {  	_ =	shalt  }
0x80: {  	_ =	shalt  }
0x81: {  	_ =	shalt  }
0x82: {  	_ =	shalt  }
0x83: {  	_ =	shalt  }
0x84: {  	_ =	shalt  }
0x85: {  	_ =	shalt  }
0x86: {  	_ =	shalt  }
0x87: {  	_ =	shalt  }
.Lfunc_end0:
.L_simem_size_0:
called_computation_lowered:
.L_overlay_start_0:
0x88: {  	s2 =	sld [smem:$0x3FD9]  }
0x89: {  	s3 =	sld [smem:$0x3FFE];
	_ =	sdelay $0x1  }
0x8a: {  	s1 =	srdreg.scid  }
0x8b: {  	s0 =	sand.u32 $0x1, s1  }
0x8c: {  	s17 =	sshll.u32 s0, $0xA;
	s2 =	sadd.s32 s3, s2  }
0x8d: {  	s2 =	sadd.s32 s2, s17  }
0x8e: {  	[smem:$0x3FC3] =	sst s2  }
0x8f: {  	_ = 	snop  }
0x90: {  	s2 =	sld [smem:$0x3FC9];
	(tm) =	ssettm $0x1  }
0x91: {  	s18 =	sld [smem:$0x3FFB];
	_ =	sdelay $0x3  }
0x92: {  	_ =	strace s18  }
0x93: {  	s3 =	sld [smem:$0x3FFC];
	_ =	sdelay $0x3  }
0x94: {  	_ =	strace s3  }
0x95: {  	s3 =	sld [smem:$0x3FFD];
	_ =	sdelay $0x3  }
0x96: {  	_ =	strace s3  }
0x97: {  	_ =	strace $0x8FFFFFFF  }
0x98: {  	s19 =	sld [smem:$0x3FDB];
	_ =	sdelay $0x1  }
0x99: {  	s4 =	simm.s32 $_scs_section_size  }
0x9a: {  	s5 =	simm.s32 $_size__tile_overlayer_lowered;
	s6 =	simm.s32 $_tile_overlayer_lowered  }
0x9b: {  	s22 =	simm.s32 $0x1BFF;
	s21 =	sshll.u32 s6, $0x1;
	s3 =	sadd.s32 s4, s19  }
0x9c: {  	s7 =	simm.s32 $0x0;
	s20 =	sshll.u32 s5, $0x1;
	s5 =	sadd.s32 s21, s3  }
0x9d: {  	[timem:s7], [sflag:s22] =	dma.local [hbm:s5], s20  }
0x9e: {  	_ =	swait.ge [sflag:s22], s20  }
0x9f: {  	s4 =	ssub.s32 $0x0, s20;
	[sflag:s22] =	ssyncset.done $0x0  }
0xa0: {  	[sflag:s22] =	ssyncadd.s32 s4;
	_ =	sdelay $0x1  }
0xa1: {  	s23 =	simm.s32 $0x1B8B  }
0xa2: {  	_ =	swait.ge [sflag:s23], $0x1  }
0xa3: {  	[sflag:s23] =	ssyncset.done $0x0  }
0xa4: {  	s25 =	simm.s32 $0x1B8E;
	s24 =	sld [smem:$0x3FFE];
	[sflag:s23] =	ssyncadd.s32 $0xFFFFFFFF  }
0xa5: {  	s26 =	simm.s32 $execute0_lowered;
	[smem:$0x3FD2] =	sst s25  }
0xa6: {  	s5 =	sshll.u32 s26, $0x1;
	_ =	strace $0x80000046;
	[dreg:$0x1] =	wrdreg $0xFFFFFFFF  }
0xa7: {  	s28 =	simm.s32 $_size_execute0_lowered;
	s3 =	sadd.s32 s3, s5;
	[dreg:$0x0] =	wrdreg $0x0  }
0xa8: {  	s5 =	sshll.u32 s28, $0x1;
	[dreg:$0x2] =	wrdreg s3  }
0xa9: {  	[dreg:$0x3] =	wrdreg s5  }
0xaa: {  	[dreg:$0x4] =	wrdreg $0xC0  }
0xab: {  	_ =	task [dreg:s7], $0x5FFFF  }
0xac: {  	[dreg:$0x1] =	wrdreg $0xFFFFFFFF  }
0xad: {  	[dreg:$0x0] =	wrdreg $0x60  }
0xae: {  	[dreg:$0x2] =	wrdreg s2  }
0xaf: {  	[dreg:$0x3] =	wrdreg s24  }
0xb0: {  	[dreg:$0x4] =	wrdreg $0x9  }
0xb1: {  	_ =	task.clear_ibuf [dreg:s7], $0x5FFFF;
	_ =	strace $0x90000046  }
0xb2: {  	s29 =	simm.s32 $0x9;
	_ =	strace $0x80000048  }
0xb3: {  	_ =	swait.ge [sflag:s29], $0x1  }
0xb4: {  	[sflag:s29] =	ssyncadd.s32 $0xFFFFFFFF  }
0xb5: {  	_ =	strace $0x90000048  }
0xb6: {  	_ =	sfence  }
0xb7: {  	s30 =	sld [smem:$0x0];
	_ =	sdelay $0x2  }
0xb8: {  	s31 =	sshll.u32 s1, $0xD;
	s1 =	sshrl.u32 s1, $0x2  }
0xb9: {  	s3 =	sand.u32 $0x4000, s31;
	s1 =	sadd.s32 s1, s30  }
0xba: {  	s0 =	sor.u32 s3, s0;
	s1 =	sshll.u32 s1, $0x11  }
0xbb: {  	s0 =	sor.u32 s1, s0  }
0xbc: {  	s0 =	sadd.s32 $0x8F2B, s0  }
0xbd: {  	[sflag:s0] =	ssyncadd.remote.s32 $0x1  }
0xbe: {  	_ =	sfence.sel $0xFFFF  }
0xbf: {  	[dreg:$0x0] =	wrdreg $0xFFFFFFFF;
	(pc) =	sbr.abs _section_cstart, $3  }
0xc0: {  	[dreg:$0x1] =	wrdreg $0xFFFFFFFF  }
0xc1: {  	_ =	task.clear_ibuf [dreg:s7], $0x2FFFF;
	_ =	strace $0x9FFFFFFF  }
0xc2: {  	(tm) =	ssettm $0x7FFFFFFF  }
0xc3: {  	_ =	shalt  }
tec
execute0_lowered:
.L_overlay_start_1:
0x0: {  	(tag) =	ssettag $0x1  }
0x1: {  	s26 =	rddreg [dreg:$0x0]  }
0x2: {  	s0 =	rddreg [dreg:$0x1];
	s3 =	simm.s32 $0x0;
	s1 =	srdreg.scid  }
0x3: {  	s4 =	stileid.u32;
	s12 =	simm.s32 $0x2;
	s13 =	simm.s32 $0x80  }
0x4: {  	s29 =	simm.s32 $0x7880;
	s30 =	simm.s32 $0x8080;
	s31 =	simm.s32 $0x8880  }
0x5: {  	s11 =	simm.s32 $0xA080;
	s14 =	simm.s32 $0xB080;
	s15 =	simm.s32 $0xB880  }
0x6: {  	s16 =	simm.s32 $0xC080;
	s17 =	simm.s32 $0xC880;
	s18 =	simm.s32 $0xD080  }
0x7: {  	s19 =	simm.s32 $0xD880;
	s20 =	simm.s32 $0xE080;
	s21 =	simm.s32 $0xE880  }
0x8: {  	s22 =	simm.s32 $0xF080;
	s23 =	simm.s32 $0xF880;
	s28 =	simm.s32 $0x0  }
0x9: {  	[smem:$0x7FF] =	sst s3;
	s1 =	sand.u32 $0x1, s1;
	s5 =	sshll.u32 s4, $0x8  }
0xa: {  	s4 =	sadd.s32 $0x400, s0;
	s6 =	sadd.s32 $0x600, s0;
	s8 =	sadd.s32 $0x700, s0  }
0xb: {  	s9 =	sadd.s32 $0x800, s0;
	s10 =	sadd.s32 $0x900, s0;
	s2 =	ssub.s32 $0x2, s1  }
0xc: {  	s0 =	simm.s32 $0x9080;
	s1 =	sshll.u32 s1, $0x7;
	s7 =	sshrl.u32 s2, $0x1  }
0xd: {  	v2 =	vlaneseq.u32;
	_ =	strace $0x80000047;
	s5 =	sor.u32 s1, s5;
	s24 =	ssub.s32 s2, s7  }
0xe: {  	vm0 =	vmmov $0xffff;
	v1 =	vshrl.u32 v2, $0x3;
	s1 =	simm.s32 $0xA880;
	s7 =	sand.u32 $0x780, s5;
	s25 =	smax.u32 s24, $0x1  }
0xf: {  	v0 =	vand.u32 $0x7, v2;
	v2 =	vor.u32 $0x8, v2;
	v1 =	vmul.u32 $0x8, v1;
	s2 =	simm.s32 $0x9880;
	s24 =	simm.s32 $0x1;
	[dreg:$0x3] =	wrdreg s25  }
.LBB2_1:
0x10: {  	[dreg:$0x4] =	wrdreg s28;
	p0 =	por $0x1, $0x1;
	s25 =	simm.s32 $0x0  }
.LBB2_2:
0x11: {  	s28 =	smov.u32 s26;
	s26 =	sor.u32 s5, s25  }
0x12: {  	s26 =	sshrl.u32 s26, $0x3  }
0x13: {  	s26 =	sadd.s32 s4, s26  }
0x14: {  	[tilespmem:s3], [sflag:$0x2] =	stream.linear.gather [hbm4b:s26+s3], $0x40, $0x38;
	[tilespmem:$0x10080] =	vst v63  }
0x15: {  	s25 =	sor.u32 s7, s25;
	_ =	swait.ge [sflag:s12], $0x40  }
0x16: {  	s25 =	sshll.u32 s25, $0x7;
	s26 =	smov.u32 s28;
	[sflag:s12] =	ssyncset.done $0x0  }
0x17: {  	s25 =	sadd.s32 s26, s25;
	[sflag:s12] =	ssyncadd.s32 $0xFFFFFFC0  }
0x18: {  	[tilespmem:s13], [sflag:$0x2] =	stream.linear.gather [hbm4b:s25+s3], $0x10000, $0x38;
	[tilespmem:$0x10080] =	vst v63  }
0x19: {  	_ =	swait.ge [sflag:s12], $0x10000  }
0x1a: {  	[sflag:s12] =	ssyncset.done $0x0  }
0x1b: {  	[sflag:s12] =	ssyncadd.s32 $0xFFFF0000  }
0x1c: {  	v3 =	vld [tilespmem:$0x0];
	_ =	sdelay $0x4  }
0x1d: {  	v4 =	vshll.u32 v3, $0x3  }
0x1e: {  	v3 =	vand.u32 $0x7, v3;
	v4 =	vand.u32 $0xFFFFFFC0, v4  }
0x1f: {  	v3 =	vor.u32 v3, v4  }
0x20: {  	v4 =	vperm.xlane v3, v0;
	_ =	sdelay $0x1  }
0x21: {  	v4 =	vadd.s32 v1, v4;
	_ =	sdelay $0x4  }
0x22: {  	[hbm4b:s6+s3] =	stream.indirect_vreg.scatter [tilespmem:s13], [sflag:$0x1], $0x80, v4, vm0, $0xb8;
	[tilespmem:$0x10080] =	vst v63  }
0x23: {  	s28 =	simm.s32 $0x880;
	v3 =	vperm.xlane v3, v2  }
0x24: {  	[hbm4b:s8+s3] =	stream.indirect_vreg.scatter [tilespmem:s28], [sflag:$0x1], $0x80, v4, vm0, $0xb8;
	[tilespmem:$0x10080] =	vst v63  }
0x25: {  	s25 =	simm.s32 $0x1080;
	v3 =	vadd.s32 v1, v3  }
0x26: {  	[hbm4b:s9+s3] =	stream.indirect_vreg.scatter [tilespmem:s25], [sflag:$0x1], $0x80, v4, vm0, $0xb8;
	[tilespmem:$0x10080] =	vst v63  }
0x27: {  	s28 =	simm.s32 $0x1880  }
0x28: {  	[hbm4b:s10+s3] =	stream.indirect_vreg.scatter [tilespmem:s28], [sflag:$0x1], $0x80, v4, vm0, $0xb8;
	[tilespmem:$0x10080] =	vst v63  }
0x29: {  	s25 =	simm.s32 $0x2080  }
0x2a: {  	[hbm4b:s6+s3] =	stream.indirect_vreg.scatter [tilespmem:s25], [sflag:$0x1], $0x80, v3, vm0, $0xb8;
	[tilespmem:$0x10080] =	vst v63  }
0x2b: {  	s28 =	simm.s32 $0x2880  }
0x2c: {  	[hbm4b:s8+s3] =	stream.indirect_vreg.scatter [tilespmem:s28], [sflag:$0x1], $0x80, v3, vm0, $0xb8;
	[tilespmem:$0x10080] =	vst v63  }
0x2d: {  	s25 =	simm.s32 $0x3080  }
0x2e: {  	[hbm4b:s9+s3] =	stream.indirect_vreg.scatter [tilespmem:s25], [sflag:$0x1], $0x80, v3, vm0, $0xb8;
	[tilespmem:$0x10080] =	vst v63  }
0x2f: {  	s28 =	simm.s32 $0x3880  }
0x30: {  	[hbm4b:s10+s3] =	stream.indirect_vreg.scatter [tilespmem:s28], [sflag:$0x1], $0x80, v3, vm0, $0xb8;
	[tilespmem:$0x10080] =	vst v63  }
0x31: {  	v3 =	vld [tilespmem:$0x10];
	_ =	sdelay $0x4  }
0x32: {  	v61 =	vshll.u32 v3, $0x3  }
0x33: {  	v3 =	vand.u32 $0x7, v3;
	v4 =	vand.u32 $0xFFFFFFC0, v61  }
0x34: {  	v3 =	vor.u32 v3, v4  }
0x35: {  	v4 =	vperm.xlane v3, v0;
	_ =	sdelay $0x1  }
0x36: {  	v4 =	vadd.s32 v1, v4;
	_ =	sdelay $0x3  }
0x37: {  	s25 =	simm.s32 $0x4080  }
0x38: {  	[hbm4b:s6+s3] =	stream.indirect_vreg.scatter [tilespmem:s25], [sflag:$0x1], $0x80, v4, vm0, $0xb8;
	[tilespmem:$0x10080] =	vst v63  }
0x39: {  	s28 =	simm.s32 $0x4880;
	v3 =	vperm.xlane v3, v2  }
0x3a: {  	[hbm4b:s8+s3] =	stream.indirect_vreg.scatter [tilespmem:s28], [sflag:$0x1], $0x80, v4, vm0, $0xb8;
	[tilespmem:$0x10080] =	vst v63  }
0x3b: {  	v3 =	vadd.s32 v1, v3;
	s25 =	simm.s32 $0x5080  }
0x3c: {  	[hbm4b:s9+s3] =	stream.indirect_vreg.scatter [tilespmem:s25], [sflag:$0x1], $0x80, v4, vm0, $0xb8;
	[tilespmem:$0x10080] =	vst v63  }
0x3d: {  	s28 =	simm.s32 $0x5880  }
0x3e: {  	[hbm4b:s10+s3] =	stream.indirect_vreg.scatter [tilespmem:s28], [sflag:$0x1], $0x80, v4, vm0, $0xb8;
	[tilespmem:$0x10080] =	vst v63  }
0x3f: {  	s25 =	simm.s32 $0x6080  }
0x40: {  	[hbm4b:s6+s3] =	stream.indirect_vreg.scatter [tilespmem:s25], [sflag:$0x1], $0x80, v3, vm0, $0xb8;
	[tilespmem:$0x10080] =	vst v63  }
0x41: {  	s28 =	simm.s32 $0x6880  }
0x42: {  	[hbm4b:s8+s3] =	stream.indirect_vreg.scatter [tilespmem:s28], [sflag:$0x1], $0x80, v3, vm0, $0xb8;
	[tilespmem:$0x10080] =	vst v63  }
0x43: {  	s28 =	simm.s32 $0x7080  }
0x44: {  	[hbm4b:s9+s3] =	stream.indirect_vreg.scatter [tilespmem:s28], [sflag:$0x1], $0x80, v3, vm0, $0xb8;
	[tilespmem:$0x10080] =	vst v63  }
0x45: {  	_ = 	snop  }
0x46: {  	[hbm4b:s10+s3] =	stream.indirect_vreg.scatter [tilespmem:s29], [sflag:$0x1], $0x80, v3, vm0, $0xb8;
	[tilespmem:$0x10080] =	vst v63  }
0x47: {  	v3 =	vld [tilespmem:$0x20];
	_ =	sdelay $0x4  }
0x48: {  	v62 =	vshll.u32 v3, $0x3  }
0x49: {  	v3 =	vand.u32 $0x7, v3;
	v4 =	vand.u32 $0xFFFFFFC0, v62  }
0x4a: {  	v3 =	vor.u32 v3, v4  }
0x4b: {  	v4 =	vperm.xlane v3, v0;
	_ =	sdelay $0x1  }
0x4c: {  	v4 =	vadd.s32 v1, v4;
	_ =	sdelay $0x4  }
0x4d: {  	[hbm4b:s6+s3] =	stream.indirect_vreg.scatter [tilespmem:s30], [sflag:$0x1], $0x80, v4, vm0, $0xb8;
	[tilespmem:$0x10080] =	vst v63  }
0x4e: {  	v3 =	vperm.xlane v3, v2  }
0x4f: {  	[hbm4b:s8+s3] =	stream.indirect_vreg.scatter [tilespmem:s31], [sflag:$0x1], $0x80, v4, vm0, $0xb8;
	[tilespmem:$0x10080] =	vst v63  }
0x50: {  	v3 =	vadd.s32 v1, v3  }
0x51: {  	[hbm4b:s9+s3] =	stream.indirect_vreg.scatter [tilespmem:s0], [sflag:$0x1], $0x80, v4, vm0, $0xb8;
	[tilespmem:$0x10080] =	vst v63  }
0x52: {  	_ = 	snop  }
0x53: {  	[hbm4b:s10+s3] =	stream.indirect_vreg.scatter [tilespmem:s2], [sflag:$0x1], $0x80, v4, vm0, $0xb8;
	[tilespmem:$0x10080] =	vst v63  }
0x54: {  	_ = 	snop  }
0x55: {  	[hbm4b:s6+s3] =	stream.indirect_vreg.scatter [tilespmem:s11], [sflag:$0x1], $0x80, v3, vm0, $0xb8;
	[tilespmem:$0x10080] =	vst v63  }
0x56: {  	_ = 	snop  }
0x57: {  	[hbm4b:s8+s3] =	stream.indirect_vreg.scatter [tilespmem:s1], [sflag:$0x1], $0x80, v3, vm0, $0xb8;
	[tilespmem:$0x10080] =	vst v63  }
0x58: {  	_ = 	snop  }
0x59: {  	[hbm4b:s9+s3] =	stream.indirect_vreg.scatter [tilespmem:s14], [sflag:$0x1], $0x80, v3, vm0, $0xb8;
	[tilespmem:$0x10080] =	vst v63  }
0x5a: {  	_ = 	snop  }
0x5b: {  	[hbm4b:s10+s3] =	stream.indirect_vreg.scatter [tilespmem:s15], [sflag:$0x1], $0x80, v3, vm0, $0xb8;
	[tilespmem:$0x10080] =	vst v63  }
0x5c: {  	v3 =	vld [tilespmem:$0x30];
	_ =	sdelay $0x4  }
0x5d: {  	v63 =	vshll.u32 v3, $0x3  }
0x5e: {  	v3 =	vand.u32 $0x7, v3;
	v4 =	vand.u32 $0xFFFFFFC0, v63  }
0x5f: {  	v3 =	vor.u32 v3, v4  }
0x60: {  	v4 =	vperm.xlane v3, v0;
	_ =	sdelay $0x1  }
0x61: {  	v4 =	vadd.s32 v1, v4;
	_ =	sdelay $0x4  }
0x62: {  	[hbm4b:s6+s3] =	stream.indirect_vreg.scatter [tilespmem:s16], [sflag:$0x1], $0x80, v4, vm0, $0xb8;
	[tilespmem:$0x10080] =	vst v63  }
0x63: {  	v3 =	vperm.xlane v3, v2  }
0x64: {  	[hbm4b:s8+s3] =	stream.indirect_vreg.scatter [tilespmem:s17], [sflag:$0x1], $0x80, v4, vm0, $0xb8;
	[tilespmem:$0x10080] =	vst v63  }
0x65: {  	v3 =	vadd.s32 v1, v3  }
0x66: {  	[hbm4b:s9+s3] =	stream.indirect_vreg.scatter [tilespmem:s18], [sflag:$0x1], $0x80, v4, vm0, $0xb8;
	[tilespmem:$0x10080] =	vst v63  }
0x67: {  	_ = 	snop  }
0x68: {  	[hbm4b:s10+s3] =	stream.indirect_vreg.scatter [tilespmem:s19], [sflag:$0x1], $0x80, v4, vm0, $0xb8;
	[tilespmem:$0x10080] =	vst v63  }
0x69: {  	_ = 	snop  }
0x6a: {  	[hbm4b:s6+s3] =	stream.indirect_vreg.scatter [tilespmem:s20], [sflag:$0x1], $0x80, v3, vm0, $0xb8;
	[tilespmem:$0x10080] =	vst v63  }
0x6b: {  	_ = 	snop  }
0x6c: {  	[hbm4b:s8+s3] =	stream.indirect_vreg.scatter [tilespmem:s21], [sflag:$0x1], $0x80, v3, vm0, $0xb8;
	[tilespmem:$0x10080] =	vst v63  }
0x6d: {  	p1 =	por p0, p0  }
0x6e: {  	[hbm4b:s9+s3] =	stream.indirect_vreg.scatter [tilespmem:s22], [sflag:$0x1], $0x80, v3, vm0, $0xb8;
	[tilespmem:$0x10080] =	vst v63  }
.Ltmp0:
0x6f: {  	_ = 	snop;
	(pc) =	sbr.rel @p1 .LBB2_2-.Ltmp0, $4  }
0x70: {  	[hbm4b:s10+s3] =	stream.indirect_vreg.scatter [tilespmem:s23], [sflag:$0x1], $0x80, v3, vm0, $0xb8;
	[tilespmem:$0x10080] =	vst v63  }
0x71: {  	_ =	swait.ge [sflag:s24], $0x10000  }
0x72: {  	[sflag:s24] =	ssyncset.done $0x0  }
0x73: {  	p0 =	por $0x0, $0x0;
	s25 =	simm.s32 $0x40;
	[sflag:s24] =	ssyncadd.s32 $0xFFFF0000  }
0x74: {  	s28 =	rddreg [dreg:$0x4]  }
0x75: {  	s25 =	rddreg [dreg:$0x3];
	s28 =	sadd.s32 $0x1, s28  }
0x76: {  	p0 =	sne.s32 s28, s25  }
.Ltmp1:
0x77: {  	_ = 	snop;
	(pc) =	sbr.rel @p0 .LBB2_1-.Ltmp1, $1  }
0x78: {  	_ =	sdelay $0x3  }
0x79: {  	_ =	sfence.sel $0x180000  }
0x7a: {  	[bflag:$0x0] =	sbarrier.arrive $0xFFFF  }
0x7b: {  	_ =	strace $0x90000047  }
0x7c: {  	s0 =	stileid.u32;
	[bflag:$0x2] =	sbarrier.arrive $0xFFFF  }
0x7d: {  	p0 =	sne.s32 s0, $0x0;
	s0 =	rddreg [dreg:$0x2]  }
0x7e: {  	s0 =	sadd.s32 @!p0 $0x100000, s0  }
0x7f: {  	[sflag:s0] =	ssyncadd.tile.s32 @!p0 $0x1;
	_ =	shalt  }
.Lfunc_end2:
_tile_overlayer_lowered:
.L_overlay_start_2:
0x80: {  	(tag) =	ssettag $0x2  }
0x81: {  	s0 =	rddreg [dreg:$0x0];
	s2 =	stileid.u32  }
0x82: {  	s1 =	rddreg [dreg:$0x1];
	p0 =	sne.s32 s2, $0x0  }
0x83: {  	s3 =	rddreg [dreg:$0x2];
	[bflag:$0x3] =	sbarrier.arrive $0xFFFF;
	s2 =	simm.s32 @!p0 $0x1C02  }
0x84: {  	[timem:s3], [sflag:s2] =	dma.local @!p0 [hbm:s0], s1  }
0x85: {  	s0 =	simm.s32 @!p0 $0x2  }
0x86: {  	_ =	swait.ge @!p0 [sflag:s0], s1  }
0x87: {  	s1 =	ssub.s32 @!p0 $0x0, s1;
	[sflag:s0] =	ssyncset.done @!p0 $0x0  }
0x88: {  	[sflag:s0] =	ssyncadd.s32 @!p0 s1  }
0x89: {  	[bflag:$0x3] =	sbarrier.arrive $0xFFFF  }
0x8a: {  	_ =	shalt  }

</sc_bundles>
